<compile_context>
chip_gen: v7x
topology: tpu7x:2x2x1
jax: 0.10.2.dev20260603
libtpu: 0.0.44.dev20260713+nightly
codegen_flags: <defaults>
</compile_context>

<pallas_src>
import functools

import jax
import jax.numpy as jnp
from jax import lax
from jax.experimental import pallas as pl
from jax.experimental.pallas import tpu as pltpu
from jax.experimental.pallas import tpu_sc as plsc

_NUM_EXPERTS = 64
_TOP_K = 2
_HIDDEN = 1024
_INTER = 512
_TOKENS = 32
_P = _TOKENS * _TOP_K
_L = 16


def _sc_routing(logits_hbm, pairs_hbm, wmat_hbm, lt_v, wmat_v, pairs_v, sem):
    cid = lax.axis_index("c")
    sid = lax.axis_index("s")

    @pl.when(jnp.logical_and(cid == 0, sid == 0))
    def _():
        pltpu.sync_copy(logits_hbm, lt_v)

        lane = lax.iota(jnp.int32, _L)
        for ch in range(_P // _L):
            pairs_v[pl.ds(ch * _L, _L)] = lane * 0
        for e in range(_NUM_EXPERTS):
            for tc in range(_TOKENS // _L):
                sl = pl.ds(tc * _L, _L)
                wmat_v[e, sl] = lt_v[e, sl]

        pltpu.sync_copy(pairs_v, pairs_hbm)
        pltpu.sync_copy(wmat_v, wmat_hbm)


_sc_routing_call = functools.partial(
    pl.kernel,
    mesh=plsc.VectorSubcoreMesh(core_axis_name="c", subcore_axis_name="s"),
    out_type=[
        jax.ShapeDtypeStruct((_P,), jnp.int32),
        jax.ShapeDtypeStruct((_NUM_EXPERTS, _TOKENS), jnp.float32),
    ],
    scratch_types=[
        pltpu.VMEM((_NUM_EXPERTS, _TOKENS), jnp.float32),
        pltpu.VMEM((_NUM_EXPERTS, _TOKENS), jnp.float32),
        pltpu.VMEM((_P,), jnp.int32),
        pltpu.SemaphoreType.DMA,
    ],
)(_sc_routing)


def _compact_kernel(pairs_ref, eid_ref, isf_ref):
    eid_col = pairs_ref[...].astype(jnp.float32)
    P = _P
    p_iota = jax.lax.broadcasted_iota(jnp.int32, (P, P), 0).astype(jnp.float32)
    q_iota = jax.lax.broadcasted_iota(jnp.int32, (P, P), 1).astype(jnp.float32)
    pair_iota = p_iota[:, :1]
    c_col = eid_col * P + pair_iota
    A = jnp.broadcast_to(c_col, (P, P))
    B = jnp.transpose(A)
    rank_col = jnp.sum((B < A).astype(jnp.float32), axis=1, keepdims=True)

    R = jnp.transpose(jnp.broadcast_to(rank_col, (P, P)))
    S = (R == p_iota).astype(jnp.float32)
    S1 = (R == (p_iota - 1.0)).astype(jnp.float32)

    dot = functools.partial(
        jax.lax.dot, precision=jax.lax.Precision.HIGHEST,
        preferred_element_type=jnp.float32)
    sorted_eid = dot(S, eid_col)
    prev_eid = dot(S1, eid_col)
    first = jnp.logical_or(sorted_eid != prev_eid, pair_iota == 0.0)
    first_f = first.astype(jnp.float32)

    ltri = (q_iota <= p_iota).astype(jnp.float32)
    urank = dot(ltri, first_f) - 1.0
    ucount = jnp.sum(first_f, axis=0, keepdims=True)
    clamp_col = jnp.minimum(pair_iota, jnp.broadcast_to(ucount, (P, 1)) - 1.0)
    r_row = jnp.transpose(jnp.broadcast_to(urank, (P, P)))
    f_row = jnp.transpose(jnp.broadcast_to(first_f, (P, P)))
    M2 = (r_row == clamp_col).astype(jnp.float32) * f_row
    uniq_eid = dot(M2, sorted_eid)
    eid_ref[...] = uniq_eid.astype(jnp.int32)
    isf_ref[...] = (pair_iota < jnp.broadcast_to(ucount, (P, 1))).astype(jnp.int32)


def _moe_kernel(eid_s, isf_s, wmat_ref, x_ref, w13_ref, w2_ref, out_ref):
    p = pl.program_id(0)

    @pl.when(p == 0)
    def _():
        out_ref[...] = jnp.zeros_like(out_ref)

    @pl.when(isf_s[p] == 1)
    def _():
        w13e = w13_ref[0]
        gu = jax.lax.dot_general(
            x_ref[...], w13e, (((1,), (1,)), ((), ())),
            preferred_element_type=jnp.float32)
        gate = gu[:, :_INTER]
        up = gu[:, _INTER:]
        inter = gate * jax.lax.logistic(gate) * up
        down = jax.lax.dot_general(
            inter, w2_ref[0], (((1,), (1,)), ((), ())),
            preferred_element_type=jnp.float32)
        e = eid_s[p]
        wrow = wmat_ref[pl.ds(e, 1), :]
        i0 = jax.lax.broadcasted_iota(jnp.int32, (_TOKENS, _TOKENS), 0)
        i1 = jax.lax.broadcasted_iota(jnp.int32, (_TOKENS, _TOKENS), 1)
        ident = (i0 == i1).astype(jnp.float32)
        wcol = jax.lax.dot_general(
            ident, wrow, (((1,), (1,)), ((), ())),
            preferred_element_type=jnp.float32)
        out_ref[...] = out_ref[...] + wcol * down


def kernel(x, router_logits, w13, w2):
    logits_t = jnp.transpose(router_logits.astype(jnp.float32))
    pairs, wmat = _sc_routing_call(logits_t)

    eid_c, isf_c = pl.pallas_call(
        _compact_kernel,
        out_shape=[
            jax.ShapeDtypeStruct((_P, 1), jnp.int32),
            jax.ShapeDtypeStruct((_P, 1), jnp.int32),
        ],
    )(pairs.reshape(_P, 1))
    eid = eid_c.reshape(-1)
    isf = isf_c.reshape(-1)

    grid_spec = pltpu.PrefetchScalarGridSpec(
        num_scalar_prefetch=2,
        grid=(_P,),
        in_specs=[
            pl.BlockSpec((_NUM_EXPERTS, _TOKENS), lambda p, e, f: (0, 0)),
            pl.BlockSpec((_TOKENS, _HIDDEN), lambda p, e, f: (0, 0)),
            pl.BlockSpec((1, 2 * _INTER, _HIDDEN), lambda p, e, f: (e[p], 0, 0)),
            pl.BlockSpec((1, _HIDDEN, _INTER), lambda p, e, f: (e[p], 0, 0)),
        ],
        out_specs=pl.BlockSpec((_TOKENS, _HIDDEN), lambda p, e, f: (0, 0)),
    )
    out = pl.pallas_call(
        _moe_kernel,
        grid_spec=grid_spec,
        out_shape=jax.ShapeDtypeStruct((_TOKENS, _HIDDEN), jnp.float32),
        compiler_params=pltpu.CompilerParams(
            dimension_semantics=("arbitrary",)),
    )(eid, isf, wmat, x, w13, w2)
    return out.astype(x.dtype)

# --- scband reference (transcript-rebuilt; emitter-appended) ---
"""Pipeline reference for scband-fused-mo-e-42262478192977 (READ-ONLY COPY).

The authoritative reference and input builder live on the scoring server;
editing this copy changes nothing except your own understanding.
"""

import jax, jax.numpy as jnp
import numpy as np

NUM_EXPERTS = 64
TOP_K = 2
HIDDEN = 1024
INTER = 512
TOKENS = 32


def setup_inputs(seed: int = 0) -> dict:
    key = jax.random.key(seed)
    k1, k2, k3, k4 = jax.random.split(key, 4)
    x = jax.random.normal(k1, (TOKENS, HIDDEN), dtype=jnp.float32)
    router_logits = jax.random.normal(k2, (TOKENS, NUM_EXPERTS), dtype=jnp.float32)
    # Weights laid out as in create_weights (pre process_weights transpose):
    # w13: [E, 2*inter, hidden]  (gate and up projections fused)
    # w2 : [E, hidden, inter]
    w13 = jax.random.normal(k3, (NUM_EXPERTS, 2 * INTER, HIDDEN), dtype=jnp.float32) * 0.02
    w2 = jax.random.normal(k4, (NUM_EXPERTS, HIDDEN, INTER), dtype=jnp.float32) * 0.02
    return {"x": x, "router_logits": router_logits, "w13": w13, "w2": w2}


def reference(x, router_logits, w13, w2):
    T, D = x.shape
    # --- select_experts: softmax scoring + top-k + renormalize ---
    probs = jax.nn.softmax(router_logits.astype(jnp.float32), axis=-1)
    topk_w, topk_ids = jax.lax.top_k(probs, TOP_K)                 # [T, K]
    topk_w = topk_w / jnp.sum(topk_w, axis=-1, keepdims=True)      # renormalize
    topk_w = topk_w.astype(x.dtype)
    # --- moe_init_routing: expand tokens per selected expert ---
    flat_ids = topk_ids.reshape(-1)                                # [T*K]
    x_rep = jnp.repeat(x, TOP_K, axis=0)                           # [T*K, D]
    # --- grouped_matmul 1 (gate_up proj): gather expert weights ---
    w13_g = jnp.take(w13, flat_ids, axis=0)                        # [T*K, 2F, D]
    gate_up = jnp.einsum('td,tfd->tf', x_rep, w13_g)               # [T*K, 2F]
    # --- swiglu: silu(gate) * up ---
    gate, up = jnp.split(gate_up, 2, axis=-1)
    inter = jax.nn.silu(gate) * up                                 # [T*K, F]
    # --- grouped_matmul 2 (down proj) ---
    w2_g = jnp.take(w2, flat_ids, axis=0)                          # [T*K, D, F]
    expert_out = jnp.einsum('tf,tdf->td', inter, w2_g)             # [T*K, D]
    # --- finalize_routing: weighted combine back to tokens ---
    out = jnp.sum(expert_out.reshape(T, TOP_K, D) * topk_w[:, :, None], axis=1)
    return out.astype(x.dtype)

if __name__ == "__main__":
    import jax
    _d = setup_inputs()
    print(jax.jit(kernel)(*tuple(_d.values())))

</pallas_src>

<mosaic_0001>
#map = affine_map<(d0, d1) -> (0, 0)>
#map1 = affine_map<(d0, d1) -> (0)>
module attributes {stable_mosaic.version = 14 : i64} {
  func.func @_sc_routing(%arg0: i32, %arg1: i32, %arg2: memref<64x32xf32, #tpu.memory_space<hbm>>, %arg3: memref<64xi32, #tpu.memory_space<hbm>>, %arg4: memref<64x32xf32, #tpu.memory_space<hbm>>, %arg5: memref<64x32xf32, #tpu.memory_space<vmem>>, %arg6: memref<64x32xf32, #tpu.memory_space<vmem>>, %arg7: memref<64xi32, #tpu.memory_space<vmem>>, %arg8: memref<!tpu.dma_semaphore, #tpu.memory_space<semaphore_mem>>) attributes {dimension_semantics = [#tpu.dimension_semantics<core_parallel>, #tpu.dimension_semantics<subcore_parallel>], iteration_bounds = array<i64: 2, 16>, scalar_prefetch = 0 : i64, scratch_operands = 4 : i64, tpu.core_type = #tpu.core_type<sc_vector_subcore>, window_params = [{transform_indices = #map}, {transform_indices = #map1}, {transform_indices = #map}]} {
    %eq3A = arith.constant 0 : i32
    %eq3A_0 = arith.cmpi eq, %arg0, %eq3A : i32
    %eq3A_1 = arith.constant 0 : i32
    %eq3A_2 = arith.cmpi eq, %arg1, %eq3A_1 : i32
    %and3A = arith.andi %eq3A_0, %eq3A_2 : i1
    %convert_element_type3A = arith.extui %and3A : i1 to i32
    %cond3A = arith.constant 0 : i32
    %cond3A_3 = arith.cmpi ne, %convert_element_type3A, %cond3A : i32
    scf.if %cond3A_3 {
      "tpu.region"() ({
        %run_scoped3A = tpu.sem_alloc : memref<!tpu.dma_semaphore, #tpu.memory_space<semaphore_mem>>
        tpu.enqueue_dma source(%arg2 : memref<64x32xf32, #tpu.memory_space<hbm>>) target(%arg5 : memref<64x32xf32, #tpu.memory_space<vmem>>) target_semaphore(%run_scoped3A : memref<!tpu.dma_semaphore, #tpu.memory_space<semaphore_mem>>)
        tpu.wait_dma2 semaphore(%run_scoped3A : memref<!tpu.dma_semaphore, #tpu.memory_space<semaphore_mem>>) src(%arg2 : memref<64x32xf32, #tpu.memory_space<hbm>>) dst(%arg5 : memref<64x32xf32, #tpu.memory_space<vmem>>)
        tpu.yield
      }) : () -> ()
      %iota3A = tpu.iota {dimensions = array<i32: 0>} : vector<16xi32>
      %mul3A = arith.constant 0 : i32
      %mul3A_4 = vector.broadcast %mul3A : i32 to vector<16xi32>
      %mul3A_5 = arith.muli %iota3A, %mul3A_4 : vector<16xi32>
      %swap3A = arith.constant 0 : index
      %swap3A_6 = tpu.vector_load %arg7[%swap3A] {strides = array<i32>} : memref<64xi32, #tpu.memory_space<vmem>>, vector<16xi32>,
      %swap3A_7 = vector.shape_cast %swap3A_6 : vector<16xi32> to vector<16xi32>
      %swap3A_8 = vector.shape_cast %mul3A_5 : vector<16xi32> to vector<16xi32>
      tpu.vector_store %arg7[%swap3A], %swap3A_8 {strides = array<i32>} : memref<64xi32, #tpu.memory_space<vmem>>, vector<16xi32>,
      %mul3A_9 = arith.constant 0 : i32
      %mul3A_10 = vector.broadcast %mul3A_9 : i32 to vector<16xi32>
      %mul3A_11 = arith.muli %iota3A, %mul3A_10 : vector<16xi32>
      %swap3A_12 = arith.constant 16 : index
      %swap3A_13 = tpu.vector_load %arg7[%swap3A_12] {strides = array<i32>} : memref<64xi32, #tpu.memory_space<vmem>>, vector<16xi32>,
      %swap3A_14 = vector.shape_cast %swap3A_13 : vector<16xi32> to vector<16xi32>
      %swap3A_15 = vector.shape_cast %mul3A_11 : vector<16xi32> to vector<16xi32>
      tpu.vector_store %arg7[%swap3A_12], %swap3A_15 {strides = array<i32>} : memref<64xi32, #tpu.memory_space<vmem>>, vector<16xi32>,
      %mul3A_16 = arith.constant 0 : i32
      %mul3A_17 = vector.broadcast %mul3A_16 : i32 to vector<16xi32>
      %mul3A_18 = arith.muli %iota3A, %mul3A_17 : vector<16xi32>
      %swap3A_19 = arith.constant 32 : index
      %swap3A_20 = tpu.vector_load %arg7[%swap3A_19] {strides = array<i32>} : memref<64xi32, #tpu.memory_space<vmem>>, vector<16xi32>,
      %swap3A_21 = vector.shape_cast %swap3A_20 : vector<16xi32> to vector<16xi32>
      %swap3A_22 = vector.shape_cast %mul3A_18 : vector<16xi32> to vector<16xi32>
      tpu.vector_store %arg7[%swap3A_19], %swap3A_22 {strides = array<i32>} : memref<64xi32, #tpu.memory_space<vmem>>, vector<16xi32>,
      %mul3A_23 = arith.constant 0 : i32
      %mul3A_24 = vector.broadcast %mul3A_23 : i32 to vector<16xi32>
      %mul3A_25 = arith.muli %iota3A, %mul3A_24 : vector<16xi32>
      %swap3A_26 = arith.constant 48 : index
      %swap3A_27 = tpu.vector_load %arg7[%swap3A_26] {strides = array<i32>} : memref<64xi32, #tpu.memory_space<vmem>>, vector<16xi32>,
      %swap3A_28 = vector.shape_cast %swap3A_27 : vector<16xi32> to vector<16xi32>
      %swap3A_29 = vector.shape_cast %mul3A_25 : vector<16xi32> to vector<16xi32>
      tpu.vector_store %arg7[%swap3A_26], %swap3A_29 {strides = array<i32>} : memref<64xi32, #tpu.memory_space<vmem>>, vector<16xi32>,
      %get3A = arith.constant 0 : i32
      %get3A_30 = arith.index_cast %get3A : i32 to index
      %get3A_31 = arith.constant 0 : index
      %get3A_32 = tpu.vector_load %arg5[%get3A_30, %get3A_31] {strides = array<i32>} : memref<64x32xf32, #tpu.memory_space<vmem>>, vector<1x16xf32>,
      %get3A_33 = vector.shape_cast %get3A_32 : vector<1x16xf32> to vector<16xf32>
      %swap3A_34 = arith.constant 0 : i32
      %swap3A_35 = arith.index_cast %swap3A_34 : i32 to index
      %swap3A_36 = arith.constant 0 : index
      %swap3A_37 = tpu.vector_load %arg6[%swap3A_35, %swap3A_36] {strides = array<i32>} : memref<64x32xf32, #tpu.memory_space<vmem>>, vector<1x16xf32>,
      %swap3A_38 = vector.shape_cast %swap3A_37 : vector<1x16xf32> to vector<16xf32>
      %swap3A_39 = vector.shape_cast %get3A_33 : vector<16xf32> to vector<1x16xf32>
      tpu.vector_store %arg6[%swap3A_35, %swap3A_36], %swap3A_39 {strides = array<i32>} : memref<64x32xf32, #tpu.memory_space<vmem>>, vector<1x16xf32>,
      %get3A_40 = arith.constant 0 : i32
      %get3A_41 = arith.index_cast %get3A_40 : i32 to index
      %get3A_42 = arith.constant 16 : index
      %get3A_43 = tpu.vector_load %arg5[%get3A_41, %get3A_42] {strides = array<i32>} : memref<64x32xf32, #tpu.memory_space<vmem>>, vector<1x16xf32>,
      %get3A_44 = vector.shape_cast %get3A_43 : vector<1x16xf32> to vector<16xf32>
      %swap3A_45 = arith.constant 0 : i32
      %swap3A_46 = arith.index_cast %swap3A_45 : i32 to index
      %swap3A_47 = arith.constant 16 : index
      %swap3A_48 = tpu.vector_load %arg6[%swap3A_46, %swap3A_47] {strides = array<i32>} : memref<64x32xf32, #tpu.memory_space<vmem>>, vector<1x16xf32>,
      %swap3A_49 = vector.shape_cast %swap3A_48 : vector<1x16xf32> to vector<16xf32>
      %swap3A_50 = vector.shape_cast %get3A_44 : vector<16xf32> to vector<1x16xf32>
      tpu.vector_store %arg6[%swap3A_46, %swap3A_47], %swap3A_50 {strides = array<i32>} : memref<64x32xf32, #tpu.memory_space<vmem>>, vector<1x16xf32>,
      %get3A_51 = arith.constant 1 : i32
      %get3A_52 = arith.index_cast %get3A_51 : i32 to index
      %get3A_53 = arith.constant 0 : index
      %get3A_54 = tpu.vector_load %arg5[%get3A_52, %get3A_53] {strides = array<i32>} : memref<64x32xf32, #tpu.memory_space<vmem>>, vector<1x16xf32>,
      %get3A_55 = vector.shape_cast %get3A_54 : vector<1x16xf32> to vector<16xf32>
      %swap3A_56 = arith.constant 1 : i32
      %swap3A_57 = arith.index_cast %swap3A_56 : i32 to index
      %swap3A_58 = arith.constant 0 : index
      %swap3A_59 = tpu.vector_load %arg6[%swap3A_57, %swap3A_58] {strides = array<i32>} : memref<64x32xf32, #tpu.memory_space<vmem>>, vector<1x16xf32>,
      %swap3A_60 = vector.shape_cast %swap3A_59 : vector<1x16xf32> to vector<16xf32>
      %swap3A_61 = vector.shape_cast %get3A_55 : vector<16xf32> to vector<1x16xf32>
      tpu.vector_store %arg6[%swap3A_57, %swap3A_58], %swap3A_61 {strides = array<i32>} : memref<64x32xf32, #tpu.memory_space<vmem>>, vector<1x16xf32>,
      %get3A_62 = arith.constant 1 : i32
      %get3A_63 = arith.index_cast %get3A_62 : i32 to index
      %get3A_64 = arith.constant 16 : index
      %get3A_65 = tpu.vector_load %arg5[%get3A_63, %get3A_64] {strides = array<i32>} : memref<64x32xf32, #tpu.memory_space<vmem>>, vector<1x16xf32>,
      %get3A_66 = vector.shape_cast %get3A_65 : vector<1x16xf32> to vector<16xf32>
      %swap3A_67 = arith.constant 1 : i32
      %swap3A_68 = arith.index_cast %swap3A_67 : i32 to index
      %swap3A_69 = arith.constant 16 : index
      %swap3A_70 = tpu.vector_load %arg6[%swap3A_68, %swap3A_69] {strides = array<i32>} : memref<64x32xf32, #tpu.memory_space<vmem>>, vector<1x16xf32>,
      %swap3A_71 = vector.shape_cast %swap3A_70 : vector<1x16xf32> to vector<16xf32>
      %swap3A_72 = vector.shape_cast %get3A_66 : vector<16xf32> to vector<1x16xf32>
      tpu.vector_store %arg6[%swap3A_68, %swap3A_69], %swap3A_72 {strides = array<i32>} : memref<64x32xf32, #tpu.memory_space<vmem>>, vector<1x16xf32>,
      %get3A_73 = arith.constant 2 : i32
      %get3A_74 = arith.index_cast %get3A_73 : i32 to index
      %get3A_75 = arith.constant 0 : index
      %get3A_76 = tpu.vector_load %arg5[%get3A_74, %get3A_75] {strides = array<i32>} : memref<64x32xf32, #tpu.memory_space<vmem>>, vector<1x16xf32>,
      %get3A_77 = vector.shape_cast %get3A_76 : vector<1x16xf32> to vector<16xf32>
      %swap3A_78 = arith.constant 2 : i32
      %swap3A_79 = arith.index_cast %swap3A_78 : i32 to index
      %swap3A_80 = arith.constant 0 : index
      %swap3A_81 = tpu.vector_load %arg6[%swap3A_79, %swap3A_80] {strides = array<i32>} : memref<64x32xf32, #tpu.memory_space<vmem>>, vector<1x16xf32>,
      %swap3A_82 = vector.shape_cast %swap3A_81 : vector<1x16xf32> to vector<16xf32>
      %swap3A_83 = vector.shape_cast %get3A_77 : vector<16xf32> to vector<1x16xf32>
      tpu.vector_store %arg6[%swap3A_79, %swap3A_80], %swap3A_83 {strides = array<i32>} : memref<64x32xf32, #tpu.memory_space<vmem>>, vector<1x16xf32>,
      %get3A_84 = arith.constant 2 : i32
      %get3A_85 = arith.index_cast %get3A_84 : i32 to index
      %get3A_86 = arith.constant 16 : index
      %get3A_87 = tpu.vector_load %arg5[%get3A_85, %get3A_86] {strides = array<i32>} : memref<64x32xf32, #tpu.memory_space<vmem>>, vector<1x16xf32>,
      %get3A_88 = vector.shape_cast %get3A_87 : vector<1x16xf32> to vector<16xf32>
      %swap3A_89 = arith.constant 2 : i32
      %swap3A_90 = arith.index_cast %swap3A_89 : i32 to index
      %swap3A_91 = arith.constant 16 : index
      %swap3A_92 = tpu.vector_load %arg6[%swap3A_90, %swap3A_91] {strides = array<i32>} : memref<64x32xf32, #tpu.memory_space<vmem>>, vector<1x16xf32>,
      %swap3A_93 = vector.shape_cast %swap3A_92 : vector<1x16xf32> to vector<16xf32>
      %swap3A_94 = vector.shape_cast %get3A_88 : vector<16xf32> to vector<1x16xf32>
      tpu.vector_store %arg6[%swap3A_90, %swap3A_91], %swap3A_94 {strides = array<i32>} : memref<64x32xf32, #tpu.memory_space<vmem>>, vector<1x16xf32>,
      %get3A_95 = arith.constant 3 : i32
      %get3A_96 = arith.index_cast %get3A_95 : i32 to index
      %get3A_97 = arith.constant 0 : index
      %get3A_98 = tpu.vector_load %arg5[%get3A_96, %get3A_97] {strides = array<i32>} : memref<64x32xf32, #tpu.memory_space<vmem>>, vector<1x16xf32>,
      %get3A_99 = vector.shape_cast %get3A_98 : vector<1x16xf32> to vector<16xf32>
      %swap3A_100 = arith.constant 3 : i32
      %swap3A_101 = arith.index_cast %swap3A_100 : i32 to index
      %swap3A_102 = arith.constant 0 : index
      %swap3A_103 = tpu.vector_load %arg6[%swap3A_101, %swap3A_102] {strides = array<i32>} : memref<64x32xf32, #tpu.memory_space<vmem>>, vector<1x16xf32>,
      %swap3A_104 = vector.shape_cast %swap3A_103 : vector<1x16xf32> to vector<16xf32>
      %swap3A_105 = vector.shape_cast %get3A_99 : vector<16xf32> to vector<1x16xf32>
      tpu.vector_store %arg6[%swap3A_101, %swap3A_102], %swap3A_105 {strides = array<i32>} : memref<64x32xf32, #tpu.memory_space<vmem>>, vector<1x16xf32>,
      %get3A_106 = arith.constant 3 : i32
      %get3A_107 = arith.index_cast %get3A_106 : i32 to index
      %get3A_108 = arith.constant 16 : index
      %get3A_109 = tpu.vector_load %arg5[%get3A_107, %get3A_108] {strides = array<i32>} : memref<64x32xf32, #tpu.memory_space<vmem>>, vector<1x16xf32>,
      %get3A_110 = vector.shape_cast %get3A_109 : vector<1x16xf32> to vector<16xf32>
      %swap3A_111 = arith.constant 3 : i32
      %swap3A_112 = arith.index_cast %swap3A_111 : i32 to index
      %swap3A_113 = arith.constant 16 : index
      %swap3A_114 = tpu.vector_load %arg6[%swap3A_112, %swap3A_113] {strides = array<i32>} : memref<64x32xf32, #tpu.memory_space<vmem>>, vector<1x16xf32>,
      %swap3A_115 = vector.shape_cast %swap3A_114 : vector<1x16xf32> to vector<16xf32>
      %swap3A_116 = vector.shape_cast %get3A_110 : vector<16xf32> to vector<1x16xf32>
      tpu.vector_store %arg6[%swap3A_112, %swap3A_113], %swap3A_116 {strides = array<i32>} : memref<64x32xf32, #tpu.memory_space<vmem>>, vector<1x16xf32>,
      %get3A_117 = arith.constant 4 : i32
      %get3A_118 = arith.index_cast %get3A_117 : i32 to index
      %get3A_119 = arith.constant 0 : index
      %get3A_120 = tpu.vector_load %arg5[%get3A_118, %get3A_119] {strides = array<i32>} : memref<64x32xf32, #tpu.memory_space<vmem>>, vector<1x16xf32>,
      %get3A_121 = vector.shape_cast %get3A_120 : vector<1x16xf32> to vector<16xf32>
      %swap3A_122 = arith.constant 4 : i32
      %swap3A_123 = arith.index_cast %swap3A_122 : i32 to index
      %swap3A_124 = arith.constant 0 : index
      %swap3A_125 = tpu.vector_load %arg6[%swap3A_123, %swap3A_124] {strides = array<i32>} : memref<64x32xf32, #tpu.memory_space<vmem>>, vector<1x16xf32>,
      %swap3A_126 = vector.shape_cast %swap3A_125 : vector<1x16xf32> to vector<16xf32>
      %swap3A_127 = vector.shape_cast %get3A_121 : vector<16xf32> to vector<1x16xf32>
      tpu.vector_store %arg6[%swap3A_123, %swap3A_124], %swap3A_127 {strides = array<i32>} : memref<64x32xf32, #tpu.memory_space<vmem>>, vector<1x16xf32>,
      %get3A_128 = arith.constant 4 : i32
      %get3A_129 = arith.index_cast %get3A_128 : i32 to index
      %get3A_130 = arith.constant 16 : index
      %get3A_131 = tpu.vector_load %arg5[%get3A_129, %get3A_130] {strides = array<i32>} : memref<64x32xf32, #tpu.memory_space<vmem>>, vector<1x16xf32>,
      %get3A_132 = vector.shape_cast %get3A_131 : vector<1x16xf32> to vector<16xf32>
      %swap3A_133 = arith.constant 4 : i32
      %swap3A_134 = arith.index_cast %swap3A_133 : i32 to index
      %swap3A_135 = arith.constant 16 : index
      %swap3A_136 = tpu.vector_load %arg6[%swap3A_134, %swap3A_135] {strides = array<i32>} : memref<64x32xf32, #tpu.memory_space<vmem>>, vector<1x16xf32>,
      %swap3A_137 = vector.shape_cast %swap3A_136 : vector<1x16xf32> to vector<16xf32>
      %swap3A_138 = vector.shape_cast %get3A_132 : vector<16xf32> to vector<1x16xf32>
      tpu.vector_store %arg6[%swap3A_134, %swap3A_135], %swap3A_138 {strides = array<i32>} : memref<64x32xf32, #tpu.memory_space<vmem>>, vector<1x16xf32>,
      %get3A_139 = arith.constant 5 : i32
      %get3A_140 = arith.index_cast %get3A_139 : i32 to index
      %get3A_141 = arith.constant 0 : index
      %get3A_142 = tpu.vector_load %arg5[%get3A_140, %get3A_141] {strides = array<i32>} : memref<64x32xf32, #tpu.memory_space<vmem>>, vector<1x16xf32>,
      %get3A_143 = vector.shape_cast %get3A_142 : vector<1x16xf32> to vector<16xf32>
      %swap3A_144 = arith.constant 5 : i32
      %swap3A_145 = arith.index_cast %swap3A_144 : i32 to index
      %swap3A_146 = arith.constant 0 : index
      %swap3A_147 = tpu.vector_load %arg6[%swap3A_145, %swap3A_146] {strides = array<i32>} : memref<64x32xf32, #tpu.memory_space<vmem>>, vector<1x16xf32>,
      %swap3A_148 = vector.shape_cast %swap3A_147 : vector<1x16xf32> to vector<16xf32>
      %swap3A_149 = vector.shape_cast %get3A_143 : vector<16xf32> to vector<1x16xf32>
      tpu.vector_store %arg6[%swap3A_145, %swap3A_146], %swap3A_149 {strides = array<i32>} : memref<64x32xf32, #tpu.memory_space<vmem>>, vector<1x16xf32>,
      %get3A_150 = arith.constant 5 : i32
      %get3A_151 = arith.index_cast %get3A_150 : i32 to index
      %get3A_152 = arith.constant 16 : index
      %get3A_153 = tpu.vector_load %arg5[%get3A_151, %get3A_152] {strides = array<i32>} : memref<64x32xf32, #tpu.memory_space<vmem>>, vector<1x16xf32>,
      %get3A_154 = vector.shape_cast %get3A_153 : vector<1x16xf32> to vector<16xf32>
      %swap3A_155 = arith.constant 5 : i32
      %swap3A_156 = arith.index_cast %swap3A_155 : i32 to index
      %swap3A_157 = arith.constant 16 : index
      %swap3A_158 = tpu.vector_load %arg6[%swap3A_156, %swap3A_157] {strides = array<i32>} : memref<64x32xf32, #tpu.memory_space<vmem>>, vector<1x16xf32>,
      %swap3A_159 = vector.shape_cast %swap3A_158 : vector<1x16xf32> to vector<16xf32>
      %swap3A_160 = vector.shape_cast %get3A_154 : vector<16xf32> to vector<1x16xf32>
      tpu.vector_store %arg6[%swap3A_156, %swap3A_157], %swap3A_160 {strides = array<i32>} : memref<64x32xf32, #tpu.memory_space<vmem>>, vector<1x16xf32>,
      %get3A_161 = arith.constant 6 : i32
      %get3A_162 = arith.index_cast %get3A_161 : i32 to index
      %get3A_163 = arith.constant 0 : index
      %get3A_164 = tpu.vector_load %arg5[%get3A_162, %get3A_163] {strides = array<i32>} : memref<64x32xf32, #tpu.memory_space<vmem>>, vector<1x16xf32>,
      %get3A_165 = vector.shape_cast %get3A_164 : vector<1x16xf32> to vector<16xf32>
      %swap3A_166 = arith.constant 6 : i32
      %swap3A_167 = arith.index_cast %swap3A_166 : i32 to index
      %swap3A_168 = arith.constant 0 : index
      %swap3A_169 = tpu.vector_load %arg6[%swap3A_167, %swap3A_168] {strides = array<i32>} : memref<64x32xf32, #tpu.memory_space<vmem>>, vector<1x16xf32>,
      %swap3A_170 = vector.shape_cast %swap3A_169 : vector<1x16xf32> to vector<16xf32>
      %swap3A_171 = vector.shape_cast %get3A_165 : vector<16xf32> to vector<1x16xf32>
      tpu.vector_store %arg6[%swap3A_167, %swap3A_168], %swap3A_171 {strides = array<i32>} : memref<64x32xf32, #tpu.memory_space<vmem>>, vector<1x16xf32>,
      %get3A_172 = arith.constant 6 : i32
      %get3A_173 = arith.index_cast %get3A_172 : i32 to index
      %get3A_174 = arith.constant 16 : index
      %get3A_175 = tpu.vector_load %arg5[%get3A_173, %get3A_174] {strides = array<i32>} : memref<64x32xf32, #tpu.memory_space<vmem>>, vector<1x16xf32>,
      %get3A_176 = vector.shape_cast %get3A_175 : vector<1x16xf32> to vector<16xf32>
      %swap3A_177 = arith.constant 6 : i32
      %swap3A_178 = arith.index_cast %swap3A_177 : i32 to index
      %swap3A_179 = arith.constant 16 : index
      %swap3A_180 = tpu.vector_load %arg6[%swap3A_178, %swap3A_179] {strides = array<i32>} : memref<64x32xf32, #tpu.memory_space<vmem>>, vector<1x16xf32>,
      %swap3A_181 = vector.shape_cast %swap3A_180 : vector<1x16xf32> to vector<16xf32>
      %swap3A_182 = vector.shape_cast %get3A_176 : vector<16xf32> to vector<1x16xf32>
      tpu.vector_store %arg6[%swap3A_178, %swap3A_179], %swap3A_182 {strides = array<i32>} : memref<64x32xf32, #tpu.memory_space<vmem>>, vector<1x16xf32>,
      %get3A_183 = arith.constant 7 : i32
      %get3A_184 = arith.index_cast %get3A_183 : i32 to index
      %get3A_185 = arith.constant 0 : index
      %get3A_186 = tpu.vector_load %arg5[%get3A_184, %get3A_185] {strides = array<i32>} : memref<64x32xf32, #tpu.memory_space<vmem>>, vector<1x16xf32>,
      %get3A_187 = vector.shape_cast %get3A_186 : vector<1x16xf32> to vector<16xf32>
      %swap3A_188 = arith.constant 7 : i32
      %swap3A_189 = arith.index_cast %swap3A_188 : i32 to index
      %swap3A_190 = arith.constant 0 : index
      %swap3A_191 = tpu.vector_load %arg6[%swap3A_189, %swap3A_190] {strides = array<i32>} : memref<64x32xf32, #tpu.memory_space<vmem>>, vector<1x16xf32>,
      %swap3A_192 = vector.shape_cast %swap3A_191 : vector<1x16xf32> to vector<16xf32>
      %swap3A_193 = vector.shape_cast %get3A_187 : vector<16xf32> to vector<1x16xf32>
      tpu.vector_store %arg6[%swap3A_189, %swap3A_190], %swap3A_193 {strides = array<i32>} : memref<64x32xf32, #tpu.memory_space<vmem>>, vector<1x16xf32>,
      %get3A_194 = arith.constant 7 : i32
      %get3A_195 = arith.index_cast %get3A_194 : i32 to index
      %get3A_196 = arith.constant 16 : index
      %get3A_197 = tpu.vector_load %arg5[%get3A_195, %get3A_196] {strides = array<i32>} : memref<64x32xf32, #tpu.memory_space<vmem>>, vector<1x16xf32>,
      %get3A_198 = vector.shape_cast %get3A_197 : vector<1x16xf32> to vector<16xf32>
      %swap3A_199 = arith.constant 7 : i32
      %swap3A_200 = arith.index_cast %swap3A_199 : i32 to index
      %swap3A_201 = arith.constant 16 : index
      %swap3A_202 = tpu.vector_load %arg6[%swap3A_200, %swap3A_201] {strides = array<i32>} : memref<64x32xf32, #tpu.memory_space<vmem>>, vector<1x16xf32>,
      %swap3A_203 = vector.shape_cast %swap3A_202 : vector<1x16xf32> to vector<16xf32>
      %swap3A_204 = vector.shape_cast %get3A_198 : vector<16xf32> to vector<1x16xf32>
      tpu.vector_store %arg6[%swap3A_200, %swap3A_201], %swap3A_204 {strides = array<i32>} : memref<64x32xf32, #tpu.memory_space<vmem>>, vector<1x16xf32>,
      %get3A_205 = arith.constant 8 : i32
      %get3A_206 = arith.index_cast %get3A_205 : i32 to index
      %get3A_207 = arith.constant 0 : index
      %get3A_208 = tpu.vector_load %arg5[%get3A_206, %get3A_207] {strides = array<i32>} : memref<64x32xf32, #tpu.memory_space<vmem>>, vector<1x16xf32>,
      %get3A_209 = vector.shape_cast %get3A_208 : vector<1x16xf32> to vector<16xf32>
      %swap3A_210 = arith.constant 8 : i32
      %swap3A_211 = arith.index_cast %swap3A_210 : i32 to index
      %swap3A_212 = arith.constant 0 : index
      %swap3A_213 = tpu.vector_load %arg6[%swap3A_211, %swap3A_212] {strides = array<i32>} : memref<64x32xf32, #tpu.memory_space<vmem>>, vector<1x16xf32>,
      %swap3A_214 = vector.shape_cast %swap3A_213 : vector<1x16xf32> to vector<16xf32>
      %swap3A_215 = vector.shape_cast %get3A_209 : vector<16xf32> to vector<1x16xf32>
      tpu.vector_store %arg6[%swap3A_211, %swap3A_212], %swap3A_215 {strides = array<i32>} : memref<64x32xf32, #tpu.memory_space<vmem>>, vector<1x16xf32>,
      %get3A_216 = arith.constant 8 : i32
      %get3A_217 = arith.index_cast %get3A_216 : i32 to index
      %get3A_218 = arith.constant 16 : index
      %get3A_219 = tpu.vector_load %arg5[%get3A_217, %get3A_218] {strides = array<i32>} : memref<64x32xf32, #tpu.memory_space<vmem>>, vector<1x16xf32>,
      %get3A_220 = vector.shape_cast %get3A_219 : vector<1x16xf32> to vector<16xf32>
      %swap3A_221 = arith.constant 8 : i32
      %swap3A_222 = arith.index_cast %swap3A_221 : i32 to index
      %swap3A_223 = arith.constant 16 : index
      %swap3A_224 = tpu.vector_load %arg6[%swap3A_222, %swap3A_223] {strides = array<i32>} : memref<64x32xf32, #tpu.memory_space<vmem>>, vector<1x16xf32>,
      %swap3A_225 = vector.shape_cast %swap3A_224 : vector<1x16xf32> to vector<16xf32>
      %swap3A_226 = vector.shape_cast %get3A_220 : vector<16xf32> to vector<1x16xf32>
      tpu.vector_store %arg6[%swap3A_222, %swap3A_223], %swap3A_226 {strides = array<i32>} : memref<64x32xf32, #tpu.memory_space<vmem>>, vector<1x16xf32>,
      %get3A_227 = arith.constant 9 : i32
      %get3A_228 = arith.index_cast %get3A_227 : i32 to index
      %get3A_229 = arith.constant 0 : index
      %get3A_230 = tpu.vector_load %arg5[%get3A_228, %get3A_229] {strides = array<i32>} : memref<64x32xf32, #tpu.memory_space<vmem>>, vector<1x16xf32>,
      %get3A_231 = vector.shape_cast %get3A_230 : vector<1x16xf32> to vector<16xf32>
      %swap3A_232 = arith.constant 9 : i32
      %swap3A_233 = arith.index_cast %swap3A_232 : i32 to index
      %swap3A_234 = arith.constant 0 : index
      %swap3A_235 = tpu.vector_load %arg6[%swap3A_233, %swap3A_234] {strides = array<i32>} : memref<64x32xf32, #tpu.memory_space<vmem>>, vector<1x16xf32>,
      %swap3A_236 = vector.shape_cast %swap3A_235 : vector<1x16xf32> to vector<16xf32>
      %swap3A_237 = vector.shape_cast %get3A_231 : vector<16xf32> to vector<1x16xf32>
      tpu.vector_store %arg6[%swap3A_233, %swap3A_234], %swap3A_237 {strides = array<i32>} : memref<64x32xf32, #tpu.memory_space<vmem>>, vector<1x16xf32>,
      %get3A_238 = arith.constant 9 : i32
      %get3A_239 = arith.index_cast %get3A_238 : i32 to index
      %get3A_240 = arith.constant 16 : index
      %get3A_241 = tpu.vector_load %arg5[%get3A_239, %get3A_240] {strides = array<i32>} : memref<64x32xf32, #tpu.memory_space<vmem>>, vector<1x16xf32>,
      %get3A_242 = vector.shape_cast %get3A_241 : vector<1x16xf32> to vector<16xf32>
      %swap3A_243 = arith.constant 9 : i32
      %swap3A_244 = arith.index_cast %swap3A_243 : i32 to index
      %swap3A_245 = arith.constant 16 : index
      %swap3A_246 = tpu.vector_load %arg6[%swap3A_244, %swap3A_245] {strides = array<i32>} : memref<64x32xf32, #tpu.memory_space<vmem>>, vector<1x16xf32>,
      %swap3A_247 = vector.shape_cast %swap3A_246 : vector<1x16xf32> to vector<16xf32>
      %swap3A_248 = vector.shape_cast %get3A_242 : vector<16xf32> to vector<1x16xf32>
      tpu.vector_store %arg6[%swap3A_244, %swap3A_245], %swap3A_248 {strides = array<i32>} : memref<64x32xf32, #tpu.memory_space<vmem>>, vector<1x16xf32>,
      %get3A_249 = arith.constant 10 : i32
      %get3A_250 = arith.index_cast %get3A_249 : i32 to index
      %get3A_251 = arith.constant 0 : index
      %get3A_252 = tpu.vector_load %arg5[%get3A_250, %get3A_251] {strides = array<i32>} : memref<64x32xf32, #tpu.memory_space<vmem>>, vector<1x16xf32>,
      %get3A_253 = vector.shape_cast %get3A_252 : vector<1x16xf32> to vector<16xf32>
      %swap3A_254 = arith.constant 10 : i32
      %swap3A_255 = arith.index_cast %swap3A_254 : i32 to index
      %swap3A_256 = arith.constant 0 : index
      %swap3A_257 = tpu.vector_load %arg6[%swap3A_255, %swap3A_256] {strides = array<i32>} : memref<64x32xf32, #tpu.memory_space<vmem>>, vector<1x16xf32>,
      %swap3A_258 = vector.shape_cast %swap3A_257 : vector<1x16xf32> to vector<16xf32>
      %swap3A_259 = vector.shape_cast %get3A_253 : vector<16xf32> to vector<1x16xf32>
      tpu.vector_store %arg6[%swap3A_255, %swap3A_256], %swap3A_259 {strides = array<i32>} : memref<64x32xf32, #tpu.memory_space<vmem>>, vector<1x16xf32>,
      %get3A_260 = arith.constant 10 : i32
      %get3A_261 = arith.index_cast %get3A_260 : i32 to index
      %get3A_262 = arith.constant 16 : index
      %get3A_263 = tpu.vector_load %arg5[%get3A_261, %get3A_262] {strides = array<i32>} : memref<64x32xf32, #tpu.memory_space<vmem>>, vector<1x16xf32>,
      %get3A_264 = vector.shape_cast %get3A_263 : vector<1x16xf32> to vector<16xf32>
      %swap3A_265 = arith.constant 10 : i32
      %swap3A_266 = arith.index_cast %swap3A_265 : i32 to index
      %swap3A_267 = arith.constant 16 : index
      %swap3A_268 = tpu.vector_load %arg6[%swap3A_266, %swap3A_267] {strides = array<i32>} : memref<64x32xf32, #tpu.memory_space<vmem>>, vector<1x16xf32>,
      %swap3A_269 = vector.shape_cast %swap3A_268 : vector<1x16xf32> to vector<16xf32>
      %swap3A_270 = vector.shape_cast %get3A_264 : vector<16xf32> to vector<1x16xf32>
      tpu.vector_store %arg6[%swap3A_266, %swap3A_267], %swap3A_270 {strides = array<i32>} : memref<64x32xf32, #tpu.memory_space<vmem>>, vector<1x16xf32>,
      %get3A_271 = arith.constant 11 : i32
      %get3A_272 = arith.index_cast %get3A_271 : i32 to index
      %get3A_273 = arith.constant 0 : index
      %get3A_274 = tpu.vector_load %arg5[%get3A_272, %get3A_273] {strides = array<i32>} : memref<64x32xf32, #tpu.memory_space<vmem>>, vector<1x16xf32>,
      %get3A_275 = vector.shape_cast %get3A_274 : vector<1x16xf32> to vector<16xf32>
      %swap3A_276 = arith.constant 11 : i32
      %swap3A_277 = arith.index_cast %swap3A_276 : i32 to index
      %swap3A_278 = arith.constant 0 : index
      %swap3A_279 = tpu.vector_load %arg6[%swap3A_277, %swap3A_278] {strides = array<i32>} : memref<64x32xf32, #tpu.memory_space<vmem>>, vector<1x16xf32>,
      %swap3A_280 = vector.shape_cast %swap3A_279 : vector<1x16xf32> to vector<16xf32>
      %swap3A_281 = vector.shape_cast %get3A_275 : vector<16xf32> to vector<1x16xf32>
      tpu.vector_store %arg6[%swap3A_277, %swap3A_278], %swap3A_281 {strides = array<i32>} : memref<64x32xf32, #tpu.memory_space<vmem>>, vector<1x16xf32>,
      %get3A_282 = arith.constant 11 : i32
      %get3A_283 = arith.index_cast %get3A_282 : i32 to index
      %get3A_284 = arith.constant 16 : index
      %get3A_285 = tpu.vector_load %arg5[%get3A_283, %get3A_284] {strides = array<i32>} : memref<64x32xf32, #tpu.memory_space<vmem>>, vector<1x16xf32>,
      %get3A_286 = vector.shape_cast %get3A_285 : vector<1x16xf32> to vector<16xf32>
      %swap3A_287 = arith.constant 11 : i32
      %swap3A_288 = arith.index_cast %swap3A_287 : i32 to index
      %swap3A_289 = arith.constant 16 : index
      %swap3A_290 = tpu.vector_load %arg6[%swap3A_288, %swap3A_289] {strides = array<i32>} : memref<64x32xf32, #tpu.memory_space<vmem>>, vector<1x16xf32>,
      %swap3A_291 = vector.shape_cast %swap3A_290 : vector<1x16xf32> to vector<16xf32>
      %swap3A_292 = vector.shape_cast %get3A_286 : vector<16xf32> to vector<1x16xf32>
      tpu.vector_store %arg6[%swap3A_288, %swap3A_289], %swap3A_292 {strides = array<i32>} : memref<64x32xf32, #tpu.memory_space<vmem>>, vector<1x16xf32>,
      %get3A_293 = arith.constant 12 : i32
      %get3A_294 = arith.index_cast %get3A_293 : i32 to index
      %get3A_295 = arith.constant 0 : index
      %get3A_296 = tpu.vector_load %arg5[%get3A_294, %get3A_295] {strides = array<i32>} : memref<64x32xf32, #tpu.memory_space<vmem>>, vector<1x16xf32>,
      %get3A_297 = vector.shape_cast %get3A_296 : vector<1x16xf32> to vector<16xf32>
      %swap3A_298 = arith.constant 12 : i32
      %swap3A_299 = arith.index_cast %swap3A_298 : i32 to index
      %swap3A_300 = arith.constant 0 : index
      %swap3A_301 = tpu.vector_load %arg6[%swap3A_299, %swap3A_300] {strides = array<i32>} : memref<64x32xf32, #tpu.memory_space<vmem>>, vector<1x16xf32>,
      %swap3A_302 = vector.shape_cast %swap3A_301 : vector<1x16xf32> to vector<16xf32>
      %swap3A_303 = vector.shape_cast %get3A_297 : vector<16xf32> to vector<1x16xf32>
      tpu.vector_store %arg6[%swap3A_299, %swap3A_300], %swap3A_303 {strides = array<i32>} : memref<64x32xf32, #tpu.memory_space<vmem>>, vector<1x16xf32>,
      %get3A_304 = arith.constant 12 : i32
      %get3A_305 = arith.index_cast %get3A_304 : i32 to index
      %get3A_306 = arith.constant 16 : index
      %get3A_307 = tpu.vector_load %arg5[%get3A_305, %get3A_306] {strides = array<i32>} : memref<64x32xf32, #tpu.memory_space<vmem>>, vector<1x16xf32>,
      %get3A_308 = vector.shape_cast %get3A_307 : vector<1x16xf32> to vector<16xf32>
      %swap3A_309 = arith.constant 12 : i32
      %swap3A_310 = arith.index_cast %swap3A_309 : i32 to index
      %swap3A_311 = arith.constant 16 : index
      %swap3A_312 = tpu.vector_load %arg6[%swap3A_310, %swap3A_311] {strides = array<i32>} : memref<64x32xf32, #tpu.memory_space<vmem>>, vector<1x16xf32>,
      %swap3A_313 = vector.shape_cast %swap3A_312 : vector<1x16xf32> to vector<16xf32>
      %swap3A_314 = vector.shape_cast %get3A_308 : vector<16xf32> to vector<1x16xf32>
      tpu.vector_store %arg6[%swap3A_310, %swap3A_311], %swap3A_314 {strides = array<i32>} : memref<64x32xf32, #tpu.memory_space<vmem>>, vector<1x16xf32>,
      %get3A_315 = arith.constant 13 : i32
      %get3A_316 = arith.index_cast %get3A_315 : i32 to index
      %get3A_317 = arith.constant 0 : index
      %get3A_318 = tpu.vector_load %arg5[%get3A_316, %get3A_317] {strides = array<i32>} : memref<64x32xf32, #tpu.memory_space<vmem>>, vector<1x16xf32>,
      %get3A_319 = vector.shape_cast %get3A_318 : vector<1x16xf32> to vector<16xf32>
      %swap3A_320 = arith.constant 13 : i32
      %swap3A_321 = arith.index_cast %swap3A_320 : i32 to index
      %swap3A_322 = arith.constant 0 : index
      %swap3A_323 = tpu.vector_load %arg6[%swap3A_321, %swap3A_322] {strides = array<i32>} : memref<64x32xf32, #tpu.memory_space<vmem>>, vector<1x16xf32>,
      %swap3A_324 = vector.shape_cast %swap3A_323 : vector<1x16xf32> to vector<16xf32>
      %swap3A_325 = vector.shape_cast %get3A_319 : vector<16xf32> to vector<1x16xf32>
      tpu.vector_store %arg6[%swap3A_321, %swap3A_322], %swap3A_325 {strides = array<i32>} : memref<64x32xf32, #tpu.memory_space<vmem>>, vector<1x16xf32>,
      %get3A_326 = arith.constant 13 : i32
      %get3A_327 = arith.index_cast %get3A_326 : i32 to index
      %get3A_328 = arith.constant 16 : index
      %get3A_329 = tpu.vector_load %arg5[%get3A_327, %get3A_328] {strides = array<i32>} : memref<64x32xf32, #tpu.memory_space<vmem>>, vector<1x16xf32>,
      %get3A_330 = vector.shape_cast %get3A_329 : vector<1x16xf32> to vector<16xf32>
      %swap3A_331 = arith.constant 13 : i32
      %swap3A_332 = arith.index_cast %swap3A_331 : i32 to index
      %swap3A_333 = arith.constant 16 : index
      %swap3A_334 = tpu.vector_load %arg6[%swap3A_332, %swap3A_333] {strides = array<i32>} : memref<64x32xf32, #tpu.memory_space<vmem>>, vector<1x16xf32>,
      %swap3A_335 = vector.shape_cast %swap3A_334 : vector<1x16xf32> to vector<16xf32>
      %swap3A_336 = vector.shape_cast %get3A_330 : vector<16xf32> to vector<1x16xf32>
      tpu.vector_store %arg6[%swap3A_332, %swap3A_333], %swap3A_336 {strides = array<i32>} : memref<64x32xf32, #tpu.memory_space<vmem>>, vector<1x16xf32>,
      %get3A_337 = arith.constant 14 : i32
      %get3A_338 = arith.index_cast %get3A_337 : i32 to index
      %get3A_339 = arith.constant 0 : index
      %get3A_340 = tpu.vector_load %arg5[%get3A_338, %get3A_339] {strides = array<i32>} : memref<64x32xf32, #tpu.memory_space<vmem>>, vector<1x16xf32>,
      %get3A_341 = vector.shape_cast %get3A_340 : vector<1x16xf32> to vector<16xf32>
      %swap3A_342 = arith.constant 14 : i32
      %swap3A_343 = arith.index_cast %swap3A_342 : i32 to index
      %swap3A_344 = arith.constant 0 : index
      %swap3A_345 = tpu.vector_load %arg6[%swap3A_343, %swap3A_344] {strides = array<i32>} : memref<64x32xf32, #tpu.memory_space<vmem>>, vector<1x16xf32>,
      %swap3A_346 = vector.shape_cast %swap3A_345 : vector<1x16xf32> to vector<16xf32>
      %swap3A_347 = vector.shape_cast %get3A_341 : vector<16xf32> to vector<1x16xf32>
      tpu.vector_store %arg6[%swap3A_343, %swap3A_344], %swap3A_347 {strides = array<i32>} : memref<64x32xf32, #tpu.memory_space<vmem>>, vector<1x16xf32>,
      %get3A_348 = arith.constant 14 : i32
      %get3A_349 = arith.index_cast %get3A_348 : i32 to index
      %get3A_350 = arith.constant 16 : index
      %get3A_351 = tpu.vector_load %arg5[%get3A_349, %get3A_350] {strides = array<i32>} : memref<64x32xf32, #tpu.memory_space<vmem>>, vector<1x16xf32>,
      %get3A_352 = vector.shape_cast %get3A_351 : vector<1x16xf32> to vector<16xf32>
      %swap3A_353 = arith.constant 14 : i32
      %swap3A_354 = arith.index_cast %swap3A_353 : i32 to index
      %swap3A_355 = arith.constant 16 : index
      %swap3A_356 = tpu.vector_load %arg6[%swap3A_354, %swap3A_355] {strides = array<i32>} : memref<64x32xf32, #tpu.memory_space<vmem>>, vector<1x16xf32>,
      %swap3A_357 = vector.shape_cast %swap3A_356 : vector<1x16xf32> to vector<16xf32>
      %swap3A_358 = vector.shape_cast %get3A_352 : vector<16xf32> to vector<1x16xf32>
      tpu.vector_store %arg6[%swap3A_354, %swap3A_355], %swap3A_358 {strides = array<i32>} : memref<64x32xf32, #tpu.memory_space<vmem>>, vector<1x16xf32>,
      %get3A_359 = arith.constant 15 : i32
      %get3A_360 = arith.index_cast %get3A_359 : i32 to index
      %get3A_361 = arith.constant 0 : index
      %get3A_362 = tpu.vector_load %arg5[%get3A_360, %get3A_361] {strides = array<i32>} : memref<64x32xf32, #tpu.memory_space<vmem>>, vector<1x16xf32>,
      %get3A_363 = vector.shape_cast %get3A_362 : vector<1x16xf32> to vector<16xf32>
      %swap3A_364 = arith.constant 15 : i32
      %swap3A_365 = arith.index_cast %swap3A_364 : i32 to index
      %swap3A_366 = arith.constant 0 : index
      %swap3A_367 = tpu.vector_load %arg6[%swap3A_365, %swap3A_366] {strides = array<i32>} : memref<64x32xf32, #tpu.memory_space<vmem>>, vector<1x16xf32>,
      %swap3A_368 = vector.shape_cast %swap3A_367 : vector<1x16xf32> to vector<16xf32>
      %swap3A_369 = vector.shape_cast %get3A_363 : vector<16xf32> to vector<1x16xf32>
      tpu.vector_store %arg6[%swap3A_365, %swap3A_366], %swap3A_369 {strides = array<i32>} : memref<64x32xf32, #tpu.memory_space<vmem>>, vector<1x16xf32>,
      %get3A_370 = arith.constant 15 : i32
      %get3A_371 = arith.index_cast %get3A_370 : i32 to index
      %get3A_372 = arith.constant 16 : index
      %get3A_373 = tpu.vector_load %arg5[%get3A_371, %get3A_372] {strides = array<i32>} : memref<64x32xf32, #tpu.memory_space<vmem>>, vector<1x16xf32>,
      %get3A_374 = vector.shape_cast %get3A_373 : vector<1x16xf32> to vector<16xf32>
      %swap3A_375 = arith.constant 15 : i32
      %swap3A_376 = arith.index_cast %swap3A_375 : i32 to index
      %swap3A_377 = arith.constant 16 : index
      %swap3A_378 = tpu.vector_load %arg6[%swap3A_376, %swap3A_377] {strides = array<i32>} : memref<64x32xf32, #tpu.memory_space<vmem>>, vector<1x16xf32>,
      %swap3A_379 = vector.shape_cast %swap3A_378 : vector<1x16xf32> to vector<16xf32>
      %swap3A_380 = vector.shape_cast %get3A_374 : vector<16xf32> to vector<1x16xf32>
      tpu.vector_store %arg6[%swap3A_376, %swap3A_377], %swap3A_380 {strides = array<i32>} : memref<64x32xf32, #tpu.memory_space<vmem>>, vector<1x16xf32>,
      %get3A_381 = arith.constant 16 : i32
      %get3A_382 = arith.index_cast %get3A_381 : i32 to index
      %get3A_383 = arith.constant 0 : index
      %get3A_384 = tpu.vector_load %arg5[%get3A_382, %get3A_383] {strides = array<i32>} : memref<64x32xf32, #tpu.memory_space<vmem>>, vector<1x16xf32>,
      %get3A_385 = vector.shape_cast %get3A_384 : vector<1x16xf32> to vector<16xf32>
      %swap3A_386 = arith.constant 16 : i32
      %swap3A_387 = arith.index_cast %swap3A_386 : i32 to index
      %swap3A_388 = arith.constant 0 : index
      %swap3A_389 = tpu.vector_load %arg6[%swap3A_387, %swap3A_388] {strides = array<i32>} : memref<64x32xf32, #tpu.memory_space<vmem>>, vector<1x16xf32>,
      %swap3A_390 = vector.shape_cast %swap3A_389 : vector<1x16xf32> to vector<16xf32>
      %swap3A_391 = vector.shape_cast %get3A_385 : vector<16xf32> to vector<1x16xf32>
      tpu.vector_store %arg6[%swap3A_387, %swap3A_388], %swap3A_391 {strides = array<i32>} : memref<64x32xf32, #tpu.memory_space<vmem>>, vector<1x16xf32>,
      %get3A_392 = arith.constant 16 : i32
      %get3A_393 = arith.index_cast %get3A_392 : i32 to index
      %get3A_394 = arith.constant 16 : index
      %get3A_395 = tpu.vector_load %arg5[%get3A_393, %get3A_394] {strides = array<i32>} : memref<64x32xf32, #tpu.memory_space<vmem>>, vector<1x16xf32>,
      %get3A_396 = vector.shape_cast %get3A_395 : vector<1x16xf32> to vector<16xf32>
      %swap3A_397 = arith.constant 16 : i32
      %swap3A_398 = arith.index_cast %swap3A_397 : i32 to index
      %swap3A_399 = arith.constant 16 : index
      %swap3A_400 = tpu.vector_load %arg6[%swap3A_398, %swap3A_399] {strides = array<i32>} : memref<64x32xf32, #tpu.memory_space<vmem>>, vector<1x16xf32>,
      %swap3A_401 = vector.shape_cast %swap3A_400 : vector<1x16xf32> to vector<16xf32>
      %swap3A_402 = vector.shape_cast %get3A_396 : vector<16xf32> to vector<1x16xf32>
      tpu.vector_store %arg6[%swap3A_398, %swap3A_399], %swap3A_402 {strides = array<i32>} : memref<64x32xf32, #tpu.memory_space<vmem>>, vector<1x16xf32>,
      %get3A_403 = arith.constant 17 : i32
      %get3A_404 = arith.index_cast %get3A_403 : i32 to index
      %get3A_405 = arith.constant 0 : index
      %get3A_406 = tpu.vector_load %arg5[%get3A_404, %get3A_405] {strides = array<i32>} : memref<64x32xf32, #tpu.memory_space<vmem>>, vector<1x16xf32>,
      %get3A_407 = vector.shape_cast %get3A_406 : vector<1x16xf32> to vector<16xf32>
      %swap3A_408 = arith.constant 17 : i32
      %swap3A_409 = arith.index_cast %swap3A_408 : i32 to index
      %swap3A_410 = arith.constant 0 : index
      %swap3A_411 = tpu.vector_load %arg6[%swap3A_409, %swap3A_410] {strides = array<i32>} : memref<64x32xf32, #tpu.memory_space<vmem>>, vector<1x16xf32>,
      %swap3A_412 = vector.shape_cast %swap3A_411 : vector<1x16xf32> to vector<16xf32>
      %swap3A_413 = vector.shape_cast %get3A_407 : vector<16xf32> to vector<1x16xf32>
      tpu.vector_store %arg6[%swap3A_409, %swap3A_410], %swap3A_413 {strides = array<i32>} : memref<64x32xf32, #tpu.memory_space<vmem>>, vector<1x16xf32>,
      %get3A_414 = arith.constant 17 : i32
      %get3A_415 = arith.index_cast %get3A_414 : i32 to index
      %get3A_416 = arith.constant 16 : index
      %get3A_417 = tpu.vector_load %arg5[%get3A_415, %get3A_416] {strides = array<i32>} : memref<64x32xf32, #tpu.memory_space<vmem>>, vector<1x16xf32>,
      %get3A_418 = vector.shape_cast %get3A_417 : vector<1x16xf32> to vector<16xf32>
      %swap3A_419 = arith.constant 17 : i32
      %swap3A_420 = arith.index_cast %swap3A_419 : i32 to index
      %swap3A_421 = arith.constant 16 : index
      %swap3A_422 = tpu.vector_load %arg6[%swap3A_420, %swap3A_421] {strides = array<i32>} : memref<64x32xf32, #tpu.memory_space<vmem>>, vector<1x16xf32>,
      %swap3A_423 = vector.shape_cast %swap3A_422 : vector<1x16xf32> to vector<16xf32>
      %swap3A_424 = vector.shape_cast %get3A_418 : vector<16xf32> to vector<1x16xf32>
      tpu.vector_store %arg6[%swap3A_420, %swap3A_421], %swap3A_424 {strides = array<i32>} : memref<64x32xf32, #tpu.memory_space<vmem>>, vector<1x16xf32>,
      %get3A_425 = arith.constant 18 : i32
      %get3A_426 = arith.index_cast %get3A_425 : i32 to index
      %get3A_427 = arith.constant 0 : index
      %get3A_428 = tpu.vector_load %arg5[%get3A_426, %get3A_427] {strides = array<i32>} : memref<64x32xf32, #tpu.memory_space<vmem>>, vector<1x16xf32>,
      %get3A_429 = vector.shape_cast %get3A_428 : vector<1x16xf32> to vector<16xf32>
      %swap3A_430 = arith.constant 18 : i32
      %swap3A_431 = arith.index_cast %swap3A_430 : i32 to index
      %swap3A_432 = arith.constant 0 : index
      %swap3A_433 = tpu.vector_load %arg6[%swap3A_431, %swap3A_432] {strides = array<i32>} : memref<64x32xf32, #tpu.memory_space<vmem>>, vector<1x16xf32>,
      %swap3A_434 = vector.shape_cast %swap3A_433 : vector<1x16xf32> to vector<16xf32>
      %swap3A_435 = vector.shape_cast %get3A_429 : vector<16xf32> to vector<1x16xf32>
      tpu.vector_store %arg6[%swap3A_431, %swap3A_432], %swap3A_435 {strides = array<i32>} : memref<64x32xf32, #tpu.memory_space<vmem>>, vector<1x16xf32>,
      %get3A_436 = arith.constant 18 : i32
      %get3A_437 = arith.index_cast %get3A_436 : i32 to index
      %get3A_438 = arith.constant 16 : index
      %get3A_439 = tpu.vector_load %arg5[%get3A_437, %get3A_438] {strides = array<i32>} : memref<64x32xf32, #tpu.memory_space<vmem>>, vector<1x16xf32>,
      %get3A_440 = vector.shape_cast %get3A_439 : vector<1x16xf32> to vector<16xf32>
      %swap3A_441 = arith.constant 18 : i32
      %swap3A_442 = arith.index_cast %swap3A_441 : i32 to index
      %swap3A_443 = arith.constant 16 : index
      %swap3A_444 = tpu.vector_load %arg6[%swap3A_442, %swap3A_443] {strides = array<i32>} : memref<64x32xf32, #tpu.memory_space<vmem>>, vector<1x16xf32>,
      %swap3A_445 = vector.shape_cast %swap3A_444 : vector<1x16xf32> to vector<16xf32>
      %swap3A_446 = vector.shape_cast %get3A_440 : vector<16xf32> to vector<1x16xf32>
      tpu.vector_store %arg6[%swap3A_442, %swap3A_443], %swap3A_446 {strides = array<i32>} : memref<64x32xf32, #tpu.memory_space<vmem>>, vector<1x16xf32>,
      %get3A_447 = arith.constant 19 : i32
      %get3A_448 = arith.index_cast %get3A_447 : i32 to index
      %get3A_449 = arith.constant 0 : index
      %get3A_450 = tpu.vector_load %arg5[%get3A_448, %get3A_449] {strides = array<i32>} : memref<64x32xf32, #tpu.memory_space<vmem>>, vector<1x16xf32>,
      %get3A_451 = vector.shape_cast %get3A_450 : vector<1x16xf32> to vector<16xf32>
      %swap3A_452 = arith.constant 19 : i32
      %swap3A_453 = arith.index_cast %swap3A_452 : i32 to index
      %swap3A_454 = arith.constant 0 : index
      %swap3A_455 = tpu.vector_load %arg6[%swap3A_453, %swap3A_454] {strides = array<i32>} : memref<64x32xf32, #tpu.memory_space<vmem>>, vector<1x16xf32>,
      %swap3A_456 = vector.shape_cast %swap3A_455 : vector<1x16xf32> to vector<16xf32>
      %swap3A_457 = vector.shape_cast %get3A_451 : vector<16xf32> to vector<1x16xf32>
      tpu.vector_store %arg6[%swap3A_453, %swap3A_454], %swap3A_457 {strides = array<i32>} : memref<64x32xf32, #tpu.memory_space<vmem>>, vector<1x16xf32>,
      %get3A_458 = arith.constant 19 : i32
      %get3A_459 = arith.index_cast %get3A_458 : i32 to index
      %get3A_460 = arith.constant 16 : index
      %get3A_461 = tpu.vector_load %arg5[%get3A_459, %get3A_460] {strides = array<i32>} : memref<64x32xf32, #tpu.memory_space<vmem>>, vector<1x16xf32>,
      %get3A_462 = vector.shape_cast %get3A_461 : vector<1x16xf32> to vector<16xf32>
      %swap3A_463 = arith.constant 19 : i32
      %swap3A_464 = arith.index_cast %swap3A_463 : i32 to index
      %swap3A_465 = arith.constant 16 : index
      %swap3A_466 = tpu.vector_load %arg6[%swap3A_464, %swap3A_465] {strides = array<i32>} : memref<64x32xf32, #tpu.memory_space<vmem>>, vector<1x16xf32>,
      %swap3A_467 = vector.shape_cast %swap3A_466 : vector<1x16xf32> to vector<16xf32>
      %swap3A_468 = vector.shape_cast %get3A_462 : vector<16xf32> to vector<1x16xf32>
      tpu.vector_store %arg6[%swap3A_464, %swap3A_465], %swap3A_468 {strides = array<i32>} : memref<64x32xf32, #tpu.memory_space<vmem>>, vector<1x16xf32>,
      %get3A_469 = arith.constant 20 : i32
      %get3A_470 = arith.index_cast %get3A_469 : i32 to index
      %get3A_471 = arith.constant 0 : index
      %get3A_472 = tpu.vector_load %arg5[%get3A_470, %get3A_471] {strides = array<i32>} : memref<64x32xf32, #tpu.memory_space<vmem>>, vector<1x16xf32>,
      %get3A_473 = vector.shape_cast %get3A_472 : vector<1x16xf32> to vector<16xf32>
      %swap3A_474 = arith.constant 20 : i32
      %swap3A_475 = arith.index_cast %swap3A_474 : i32 to index
      %swap3A_476 = arith.constant 0 : index
      %swap3A_477 = tpu.vector_load %arg6[%swap3A_475, %swap3A_476] {strides = array<i32>} : memref<64x32xf32, #tpu.memory_space<vmem>>, vector<1x16xf32>,
      %swap3A_478 = vector.shape_cast %swap3A_477 : vector<1x16xf32> to vector<16xf32>
      %swap3A_479 = vector.shape_cast %get3A_473 : vector<16xf32> to vector<1x16xf32>
      tpu.vector_store %arg6[%swap3A_475, %swap3A_476], %swap3A_479 {strides = array<i32>} : memref<64x32xf32, #tpu.memory_space<vmem>>, vector<1x16xf32>,
      %get3A_480 = arith.constant 20 : i32
      %get3A_481 = arith.index_cast %get3A_480 : i32 to index
      %get3A_482 = arith.constant 16 : index
      %get3A_483 = tpu.vector_load %arg5[%get3A_481, %get3A_482] {strides = array<i32>} : memref<64x32xf32, #tpu.memory_space<vmem>>, vector<1x16xf32>,
      %get3A_484 = vector.shape_cast %get3A_483 : vector<1x16xf32> to vector<16xf32>
      %swap3A_485 = arith.constant 20 : i32
      %swap3A_486 = arith.index_cast %swap3A_485 : i32 to index
      %swap3A_487 = arith.constant 16 : index
      %swap3A_488 = tpu.vector_load %arg6[%swap3A_486, %swap3A_487] {strides = array<i32>} : memref<64x32xf32, #tpu.memory_space<vmem>>, vector<1x16xf32>,
      %swap3A_489 = vector.shape_cast %swap3A_488 : vector<1x16xf32> to vector<16xf32>
      %swap3A_490 = vector.shape_cast %get3A_484 : vector<16xf32> to vector<1x16xf32>
      tpu.vector_store %arg6[%swap3A_486, %swap3A_487], %swap3A_490 {strides = array<i32>} : memref<64x32xf32, #tpu.memory_space<vmem>>, vector<1x16xf32>,
      %get3A_491 = arith.constant 21 : i32
      %get3A_492 = arith.index_cast %get3A_491 : i32 to index
      %get3A_493 = arith.constant 0 : index
      %get3A_494 = tpu.vector_load %arg5[%get3A_492, %get3A_493] {strides = array<i32>} : memref<64x32xf32, #tpu.memory_space<vmem>>, vector<1x16xf32>,
      %get3A_495 = vector.shape_cast %get3A_494 : vector<1x16xf32> to vector<16xf32>
      %swap3A_496 = arith.constant 21 : i32
      %swap3A_497 = arith.index_cast %swap3A_496 : i32 to index
      %swap3A_498 = arith.constant 0 : index
      %swap3A_499 = tpu.vector_load %arg6[%swap3A_497, %swap3A_498] {strides = array<i32>} : memref<64x32xf32, #tpu.memory_space<vmem>>, vector<1x16xf32>,
      %swap3A_500 = vector.shape_cast %swap3A_499 : vector<1x16xf32> to vector<16xf32>
      %swap3A_501 = vector.shape_cast %get3A_495 : vector<16xf32> to vector<1x16xf32>
      tpu.vector_store %arg6[%swap3A_497, %swap3A_498], %swap3A_501 {strides = array<i32>} : memref<64x32xf32, #tpu.memory_space<vmem>>, vector<1x16xf32>,
      %get3A_502 = arith.constant 21 : i32
      %get3A_503 = arith.index_cast %get3A_502 : i32 to index
      %get3A_504 = arith.constant 16 : index
      %get3A_505 = tpu.vector_load %arg5[%get3A_503, %get3A_504] {strides = array<i32>} : memref<64x32xf32, #tpu.memory_space<vmem>>, vector<1x16xf32>,
      %get3A_506 = vector.shape_cast %get3A_505 : vector<1x16xf32> to vector<16xf32>
      %swap3A_507 = arith.constant 21 : i32
      %swap3A_508 = arith.index_cast %swap3A_507 : i32 to index
      %swap3A_509 = arith.constant 16 : index
      %swap3A_510 = tpu.vector_load %arg6[%swap3A_508, %swap3A_509] {strides = array<i32>} : memref<64x32xf32, #tpu.memory_space<vmem>>, vector<1x16xf32>,
      %swap3A_511 = vector.shape_cast %swap3A_510 : vector<1x16xf32> to vector<16xf32>
      %swap3A_512 = vector.shape_cast %get3A_506 : vector<16xf32> to vector<1x16xf32>
      tpu.vector_store %arg6[%swap3A_508, %swap3A_509], %swap3A_512 {strides = array<i32>} : memref<64x32xf32, #tpu.memory_space<vmem>>, vector<1x16xf32>,
      %get3A_513 = arith.constant 22 : i32
      %get3A_514 = arith.index_cast %get3A_513 : i32 to index
      %get3A_515 = arith.constant 0 : index
      %get3A_516 = tpu.vector_load %arg5[%get3A_514, %get3A_515] {strides = array<i32>} : memref<64x32xf32, #tpu.memory_space<vmem>>, vector<1x16xf32>,
      %get3A_517 = vector.shape_cast %get3A_516 : vector<1x16xf32> to vector<16xf32>
      %swap3A_518 = arith.constant 22 : i32
      %swap3A_519 = arith.index_cast %swap3A_518 : i32 to index
      %swap3A_520 = arith.constant 0 : index
      %swap3A_521 = tpu.vector_load %arg6[%swap3A_519, %swap3A_520] {strides = array<i32>} : memref<64x32xf32, #tpu.memory_space<vmem>>, vector<1x16xf32>,
      %swap3A_522 = vector.shape_cast %swap3A_521 : vector<1x16xf32> to vector<16xf32>
      %swap3A_523 = vector.shape_cast %get3A_517 : vector<16xf32> to vector<1x16xf32>
      tpu.vector_store %arg6[%swap3A_519, %swap3A_520], %swap3A_523 {strides = array<i32>} : memref<64x32xf32, #tpu.memory_space<vmem>>, vector<1x16xf32>,
      %get3A_524 = arith.constant 22 : i32
      %get3A_525 = arith.index_cast %get3A_524 : i32 to index
      %get3A_526 = arith.constant 16 : index
      %get3A_527 = tpu.vector_load %arg5[%get3A_525, %get3A_526] {strides = array<i32>} : memref<64x32xf32, #tpu.memory_space<vmem>>, vector<1x16xf32>,
      %get3A_528 = vector.shape_cast %get3A_527 : vector<1x16xf32> to vector<16xf32>
      %swap3A_529 = arith.constant 22 : i32
      %swap3A_530 = arith.index_cast %swap3A_529 : i32 to index
      %swap3A_531 = arith.constant 16 : index
      %swap3A_532 = tpu.vector_load %arg6[%swap3A_530, %swap3A_531] {strides = array<i32>} : memref<64x32xf32, #tpu.memory_space<vmem>>, vector<1x16xf32>,
      %swap3A_533 = vector.shape_cast %swap3A_532 : vector<1x16xf32> to vector<16xf32>
      %swap3A_534 = vector.shape_cast %get3A_528 : vector<16xf32> to vector<1x16xf32>
      tpu.vector_store %arg6[%swap3A_530, %swap3A_531], %swap3A_534 {strides = array<i32>} : memref<64x32xf32, #tpu.memory_space<vmem>>, vector<1x16xf32>,
      %get3A_535 = arith.constant 23 : i32
      %get3A_536 = arith.index_cast %get3A_535 : i32 to index
      %get3A_537 = arith.constant 0 : index
      %get3A_538 = tpu.vector_load %arg5[%get3A_536, %get3A_537] {strides = array<i32>} : memref<64x32xf32, #tpu.memory_space<vmem>>, vector<1x16xf32>,
      %get3A_539 = vector.shape_cast %get3A_538 : vector<1x16xf32> to vector<16xf32>
      %swap3A_540 = arith.constant 23 : i32
      %swap3A_541 = arith.index_cast %swap3A_540 : i32 to index
      %swap3A_542 = arith.constant 0 : index
      %swap3A_543 = tpu.vector_load %arg6[%swap3A_541, %swap3A_542] {strides = array<i32>} : memref<64x32xf32, #tpu.memory_space<vmem>>, vector<1x16xf32>,
      %swap3A_544 = vector.shape_cast %swap3A_543 : vector<1x16xf32> to vector<16xf32>
      %swap3A_545 = vector.shape_cast %get3A_539 : vector<16xf32> to vector<1x16xf32>
      tpu.vector_store %arg6[%swap3A_541, %swap3A_542], %swap3A_545 {strides = array<i32>} : memref<64x32xf32, #tpu.memory_space<vmem>>, vector<1x16xf32>,
      %get3A_546 = arith.constant 23 : i32
      %get3A_547 = arith.index_cast %get3A_546 : i32 to index
      %get3A_548 = arith.constant 16 : index
      %get3A_549 = tpu.vector_load %arg5[%get3A_547, %get3A_548] {strides = array<i32>} : memref<64x32xf32, #tpu.memory_space<vmem>>, vector<1x16xf32>,
      %get3A_550 = vector.shape_cast %get3A_549 : vector<1x16xf32> to vector<16xf32>
      %swap3A_551 = arith.constant 23 : i32
      %swap3A_552 = arith.index_cast %swap3A_551 : i32 to index
      %swap3A_553 = arith.constant 16 : index
      %swap3A_554 = tpu.vector_load %arg6[%swap3A_552, %swap3A_553] {strides = array<i32>} : memref<64x32xf32, #tpu.memory_space<vmem>>, vector<1x16xf32>,
      %swap3A_555 = vector.shape_cast %swap3A_554 : vector<1x16xf32> to vector<16xf32>
      %swap3A_556 = vector.shape_cast %get3A_550 : vector<16xf32> to vector<1x16xf32>
      tpu.vector_store %arg6[%swap3A_552, %swap3A_553], %swap3A_556 {strides = array<i32>} : memref<64x32xf32, #tpu.memory_space<vmem>>, vector<1x16xf32>,
      %get3A_557 = arith.constant 24 : i32
      %get3A_558 = arith.index_cast %get3A_557 : i32 to index
      %get3A_559 = arith.constant 0 : index
      %get3A_560 = tpu.vector_load %arg5[%get3A_558, %get3A_559] {strides = array<i32>} : memref<64x32xf32, #tpu.memory_space<vmem>>, vector<1x16xf32>,
      %get3A_561 = vector.shape_cast %get3A_560 : vector<1x16xf32> to vector<16xf32>
      %swap3A_562 = arith.constant 24 : i32
      %swap3A_563 = arith.index_cast %swap3A_562 : i32 to index
      %swap3A_564 = arith.constant 0 : index
      %swap3A_565 = tpu.vector_load %arg6[%swap3A_563, %swap3A_564] {strides = array<i32>} : memref<64x32xf32, #tpu.memory_space<vmem>>, vector<1x16xf32>,
      %swap3A_566 = vector.shape_cast %swap3A_565 : vector<1x16xf32> to vector<16xf32>
      %swap3A_567 = vector.shape_cast %get3A_561 : vector<16xf32> to vector<1x16xf32>
      tpu.vector_store %arg6[%swap3A_563, %swap3A_564], %swap3A_567 {strides = array<i32>} : memref<64x32xf32, #tpu.memory_space<vmem>>, vector<1x16xf32>,
      %get3A_568 = arith.constant 24 : i32
      %get3A_569 = arith.index_cast %get3A_568 : i32 to index
      %get3A_570 = arith.constant 16 : index
      %get3A_571 = tpu.vector_load %arg5[%get3A_569, %get3A_570] {strides = array<i32>} : memref<64x32xf32, #tpu.memory_space<vmem>>, vector<1x16xf32>,
      %get3A_572 = vector.shape_cast %get3A_571 : vector<1x16xf32> to vector<16xf32>
      %swap3A_573 = arith.constant 24 : i32
      %swap3A_574 = arith.index_cast %swap3A_573 : i32 to index
      %swap3A_575 = arith.constant 16 : index
      %swap3A_576 = tpu.vector_load %arg6[%swap3A_574, %swap3A_575] {strides = array<i32>} : memref<64x32xf32, #tpu.memory_space<vmem>>, vector<1x16xf32>,
      %swap3A_577 = vector.shape_cast %swap3A_576 : vector<1x16xf32> to vector<16xf32>
      %swap3A_578 = vector.shape_cast %get3A_572 : vector<16xf32> to vector<1x16xf32>
      tpu.vector_store %arg6[%swap3A_574, %swap3A_575], %swap3A_578 {strides = array<i32>} : memref<64x32xf32, #tpu.memory_space<vmem>>, vector<1x16xf32>,
      %get3A_579 = arith.constant 25 : i32
      %get3A_580 = arith.index_cast %get3A_579 : i32 to index
      %get3A_581 = arith.constant 0 : index
      %get3A_582 = tpu.vector_load %arg5[%get3A_580, %get3A_581] {strides = array<i32>} : memref<64x32xf32, #tpu.memory_space<vmem>>, vector<1x16xf32>,
      %get3A_583 = vector.shape_cast %get3A_582 : vector<1x16xf32> to vector<16xf32>
      %swap3A_584 = arith.constant 25 : i32
      %swap3A_585 = arith.index_cast %swap3A_584 : i32 to index
      %swap3A_586 = arith.constant 0 : index
      %swap3A_587 = tpu.vector_load %arg6[%swap3A_585, %swap3A_586] {strides = array<i32>} : memref<64x32xf32, #tpu.memory_space<vmem>>, vector<1x16xf32>,
      %swap3A_588 = vector.shape_cast %swap3A_587 : vector<1x16xf32> to vector<16xf32>
      %swap3A_589 = vector.shape_cast %get3A_583 : vector<16xf32> to vector<1x16xf32>
      tpu.vector_store %arg6[%swap3A_585, %swap3A_586], %swap3A_589 {strides = array<i32>} : memref<64x32xf32, #tpu.memory_space<vmem>>, vector<1x16xf32>,
      %get3A_590 = arith.constant 25 : i32
      %get3A_591 = arith.index_cast %get3A_590 : i32 to index
      %get3A_592 = arith.constant 16 : index
      %get3A_593 = tpu.vector_load %arg5[%get3A_591, %get3A_592] {strides = array<i32>} : memref<64x32xf32, #tpu.memory_space<vmem>>, vector<1x16xf32>,
      %get3A_594 = vector.shape_cast %get3A_593 : vector<1x16xf32> to vector<16xf32>
      %swap3A_595 = arith.constant 25 : i32
      %swap3A_596 = arith.index_cast %swap3A_595 : i32 to index
      %swap3A_597 = arith.constant 16 : index
      %swap3A_598 = tpu.vector_load %arg6[%swap3A_596, %swap3A_597] {strides = array<i32>} : memref<64x32xf32, #tpu.memory_space<vmem>>, vector<1x16xf32>,
      %swap3A_599 = vector.shape_cast %swap3A_598 : vector<1x16xf32> to vector<16xf32>
      %swap3A_600 = vector.shape_cast %get3A_594 : vector<16xf32> to vector<1x16xf32>
      tpu.vector_store %arg6[%swap3A_596, %swap3A_597], %swap3A_600 {strides = array<i32>} : memref<64x32xf32, #tpu.memory_space<vmem>>, vector<1x16xf32>,
      %get3A_601 = arith.constant 26 : i32
      %get3A_602 = arith.index_cast %get3A_601 : i32 to index
      %get3A_603 = arith.constant 0 : index
      %get3A_604 = tpu.vector_load %arg5[%get3A_602, %get3A_603] {strides = array<i32>} : memref<64x32xf32, #tpu.memory_space<vmem>>, vector<1x16xf32>,
      %get3A_605 = vector.shape_cast %get3A_604 : vector<1x16xf32> to vector<16xf32>
      %swap3A_606 = arith.constant 26 : i32
      %swap3A_607 = arith.index_cast %swap3A_606 : i32 to index
      %swap3A_608 = arith.constant 0 : index
      %swap3A_609 = tpu.vector_load %arg6[%swap3A_607, %swap3A_608] {strides = array<i32>} : memref<64x32xf32, #tpu.memory_space<vmem>>, vector<1x16xf32>,
      %swap3A_610 = vector.shape_cast %swap3A_609 : vector<1x16xf32> to vector<16xf32>
      %swap3A_611 = vector.shape_cast %get3A_605 : vector<16xf32> to vector<1x16xf32>
      tpu.vector_store %arg6[%swap3A_607, %swap3A_608], %swap3A_611 {strides = array<i32>} : memref<64x32xf32, #tpu.memory_space<vmem>>, vector<1x16xf32>,
      %get3A_612 = arith.constant 26 : i32
      %get3A_613 = arith.index_cast %get3A_612 : i32 to index
      %get3A_614 = arith.constant 16 : index
      %get3A_615 = tpu.vector_load %arg5[%get3A_613, %get3A_614] {strides = array<i32>} : memref<64x32xf32, #tpu.memory_space<vmem>>, vector<1x16xf32>,
      %get3A_616 = vector.shape_cast %get3A_615 : vector<1x16xf32> to vector<16xf32>
      %swap3A_617 = arith.constant 26 : i32
      %swap3A_618 = arith.index_cast %swap3A_617 : i32 to index
      %swap3A_619 = arith.constant 16 : index
      %swap3A_620 = tpu.vector_load %arg6[%swap3A_618, %swap3A_619] {strides = array<i32>} : memref<64x32xf32, #tpu.memory_space<vmem>>, vector<1x16xf32>,
      %swap3A_621 = vector.shape_cast %swap3A_620 : vector<1x16xf32> to vector<16xf32>
      %swap3A_622 = vector.shape_cast %get3A_616 : vector<16xf32> to vector<1x16xf32>
      tpu.vector_store %arg6[%swap3A_618, %swap3A_619], %swap3A_622 {strides = array<i32>} : memref<64x32xf32, #tpu.memory_space<vmem>>, vector<1x16xf32>,
      %get3A_623 = arith.constant 27 : i32
      %get3A_624 = arith.index_cast %get3A_623 : i32 to index
      %get3A_625 = arith.constant 0 : index
      %get3A_626 = tpu.vector_load %arg5[%get3A_624, %get3A_625] {strides = array<i32>} : memref<64x32xf32, #tpu.memory_space<vmem>>, vector<1x16xf32>,
      %get3A_627 = vector.shape_cast %get3A_626 : vector<1x16xf32> to vector<16xf32>
      %swap3A_628 = arith.constant 27 : i32
      %swap3A_629 = arith.index_cast %swap3A_628 : i32 to index
      %swap3A_630 = arith.constant 0 : index
      %swap3A_631 = tpu.vector_load %arg6[%swap3A_629, %swap3A_630] {strides = array<i32>} : memref<64x32xf32, #tpu.memory_space<vmem>>, vector<1x16xf32>,
      %swap3A_632 = vector.shape_cast %swap3A_631 : vector<1x16xf32> to vector<16xf32>
      %swap3A_633 = vector.shape_cast %get3A_627 : vector<16xf32> to vector<1x16xf32>
      tpu.vector_store %arg6[%swap3A_629, %swap3A_630], %swap3A_633 {strides = array<i32>} : memref<64x32xf32, #tpu.memory_space<vmem>>, vector<1x16xf32>,
      %get3A_634 = arith.constant 27 : i32
      %get3A_635 = arith.index_cast %get3A_634 : i32 to index
      %get3A_636 = arith.constant 16 : index
      %get3A_637 = tpu.vector_load %arg5[%get3A_635, %get3A_636] {strides = array<i32>} : memref<64x32xf32, #tpu.memory_space<vmem>>, vector<1x16xf32>,
      %get3A_638 = vector.shape_cast %get3A_637 : vector<1x16xf32> to vector<16xf32>
      %swap3A_639 = arith.constant 27 : i32
      %swap3A_640 = arith.index_cast %swap3A_639 : i32 to index
      %swap3A_641 = arith.constant 16 : index
      %swap3A_642 = tpu.vector_load %arg6[%swap3A_640, %swap3A_641] {strides = array<i32>} : memref<64x32xf32, #tpu.memory_space<vmem>>, vector<1x16xf32>,
      %swap3A_643 = vector.shape_cast %swap3A_642 : vector<1x16xf32> to vector<16xf32>
      %swap3A_644 = vector.shape_cast %get3A_638 : vector<16xf32> to vector<1x16xf32>
      tpu.vector_store %arg6[%swap3A_640, %swap3A_641], %swap3A_644 {strides = array<i32>} : memref<64x32xf32, #tpu.memory_space<vmem>>, vector<1x16xf32>,
      %get3A_645 = arith.constant 28 : i32
      %get3A_646 = arith.index_cast %get3A_645 : i32 to index
      %get3A_647 = arith.constant 0 : index
      %get3A_648 = tpu.vector_load %arg5[%get3A_646, %get3A_647] {strides = array<i32>} : memref<64x32xf32, #tpu.memory_space<vmem>>, vector<1x16xf32>,
      %get3A_649 = vector.shape_cast %get3A_648 : vector<1x16xf32> to vector<16xf32>
      %swap3A_650 = arith.constant 28 : i32
      %swap3A_651 = arith.index_cast %swap3A_650 : i32 to index
      %swap3A_652 = arith.constant 0 : index
      %swap3A_653 = tpu.vector_load %arg6[%swap3A_651, %swap3A_652] {strides = array<i32>} : memref<64x32xf32, #tpu.memory_space<vmem>>, vector<1x16xf32>,
      %swap3A_654 = vector.shape_cast %swap3A_653 : vector<1x16xf32> to vector<16xf32>
      %swap3A_655 = vector.shape_cast %get3A_649 : vector<16xf32> to vector<1x16xf32>
      tpu.vector_store %arg6[%swap3A_651, %swap3A_652], %swap3A_655 {strides = array<i32>} : memref<64x32xf32, #tpu.memory_space<vmem>>, vector<1x16xf32>,
      %get3A_656 = arith.constant 28 : i32
      %get3A_657 = arith.index_cast %get3A_656 : i32 to index
      %get3A_658 = arith.constant 16 : index
      %get3A_659 = tpu.vector_load %arg5[%get3A_657, %get3A_658] {strides = array<i32>} : memref<64x32xf32, #tpu.memory_space<vmem>>, vector<1x16xf32>,
      %get3A_660 = vector.shape_cast %get3A_659 : vector<1x16xf32> to vector<16xf32>
      %swap3A_661 = arith.constant 28 : i32
      %swap3A_662 = arith.index_cast %swap3A_661 : i32 to index
      %swap3A_663 = arith.constant 16 : index
      %swap3A_664 = tpu.vector_load %arg6[%swap3A_662, %swap3A_663] {strides = array<i32>} : memref<64x32xf32, #tpu.memory_space<vmem>>, vector<1x16xf32>,
      %swap3A_665 = vector.shape_cast %swap3A_664 : vector<1x16xf32> to vector<16xf32>
      %swap3A_666 = vector.shape_cast %get3A_660 : vector<16xf32> to vector<1x16xf32>
      tpu.vector_store %arg6[%swap3A_662, %swap3A_663], %swap3A_666 {strides = array<i32>} : memref<64x32xf32, #tpu.memory_space<vmem>>, vector<1x16xf32>,
      %get3A_667 = arith.constant 29 : i32
      %get3A_668 = arith.index_cast %get3A_667 : i32 to index
      %get3A_669 = arith.constant 0 : index
      %get3A_670 = tpu.vector_load %arg5[%get3A_668, %get3A_669] {strides = array<i32>} : memref<64x32xf32, #tpu.memory_space<vmem>>, vector<1x16xf32>,
      %get3A_671 = vector.shape_cast %get3A_670 : vector<1x16xf32> to vector<16xf32>
      %swap3A_672 = arith.constant 29 : i32
      %swap3A_673 = arith.index_cast %swap3A_672 : i32 to index
      %swap3A_674 = arith.constant 0 : index
      %swap3A_675 = tpu.vector_load %arg6[%swap3A_673, %swap3A_674] {strides = array<i32>} : memref<64x32xf32, #tpu.memory_space<vmem>>, vector<1x16xf32>,
      %swap3A_676 = vector.shape_cast %swap3A_675 : vector<1x16xf32> to vector<16xf32>
      %swap3A_677 = vector.shape_cast %get3A_671 : vector<16xf32> to vector<1x16xf32>
      tpu.vector_store %arg6[%swap3A_673, %swap3A_674], %swap3A_677 {strides = array<i32>} : memref<64x32xf32, #tpu.memory_space<vmem>>, vector<1x16xf32>,
      %get3A_678 = arith.constant 29 : i32
      %get3A_679 = arith.index_cast %get3A_678 : i32 to index
      %get3A_680 = arith.constant 16 : index
      %get3A_681 = tpu.vector_load %arg5[%get3A_679, %get3A_680] {strides = array<i32>} : memref<64x32xf32, #tpu.memory_space<vmem>>, vector<1x16xf32>,
      %get3A_682 = vector.shape_cast %get3A_681 : vector<1x16xf32> to vector<16xf32>
      %swap3A_683 = arith.constant 29 : i32
      %swap3A_684 = arith.index_cast %swap3A_683 : i32 to index
      %swap3A_685 = arith.constant 16 : index
      %swap3A_686 = tpu.vector_load %arg6[%swap3A_684, %swap3A_685] {strides = array<i32>} : memref<64x32xf32, #tpu.memory_space<vmem>>, vector<1x16xf32>,
      %swap3A_687 = vector.shape_cast %swap3A_686 : vector<1x16xf32> to vector<16xf32>
      %swap3A_688 = vector.shape_cast %get3A_682 : vector<16xf32> to vector<1x16xf32>
      tpu.vector_store %arg6[%swap3A_684, %swap3A_685], %swap3A_688 {strides = array<i32>} : memref<64x32xf32, #tpu.memory_space<vmem>>, vector<1x16xf32>,
      %get3A_689 = arith.constant 30 : i32
      %get3A_690 = arith.index_cast %get3A_689 : i32 to index
      %get3A_691 = arith.constant 0 : index
      %get3A_692 = tpu.vector_load %arg5[%get3A_690, %get3A_691] {strides = array<i32>} : memref<64x32xf32, #tpu.memory_space<vmem>>, vector<1x16xf32>,
      %get3A_693 = vector.shape_cast %get3A_692 : vector<1x16xf32> to vector<16xf32>
      %swap3A_694 = arith.constant 30 : i32
      %swap3A_695 = arith.index_cast %swap3A_694 : i32 to index
      %swap3A_696 = arith.constant 0 : index
      %swap3A_697 = tpu.vector_load %arg6[%swap3A_695, %swap3A_696] {strides = array<i32>} : memref<64x32xf32, #tpu.memory_space<vmem>>, vector<1x16xf32>,
      %swap3A_698 = vector.shape_cast %swap3A_697 : vector<1x16xf32> to vector<16xf32>
      %swap3A_699 = vector.shape_cast %get3A_693 : vector<16xf32> to vector<1x16xf32>
      tpu.vector_store %arg6[%swap3A_695, %swap3A_696], %swap3A_699 {strides = array<i32>} : memref<64x32xf32, #tpu.memory_space<vmem>>, vector<1x16xf32>,
      %get3A_700 = arith.constant 30 : i32
      %get3A_701 = arith.index_cast %get3A_700 : i32 to index
      %get3A_702 = arith.constant 16 : index
      %get3A_703 = tpu.vector_load %arg5[%get3A_701, %get3A_702] {strides = array<i32>} : memref<64x32xf32, #tpu.memory_space<vmem>>, vector<1x16xf32>,
      %get3A_704 = vector.shape_cast %get3A_703 : vector<1x16xf32> to vector<16xf32>
      %swap3A_705 = arith.constant 30 : i32
      %swap3A_706 = arith.index_cast %swap3A_705 : i32 to index
      %swap3A_707 = arith.constant 16 : index
      %swap3A_708 = tpu.vector_load %arg6[%swap3A_706, %swap3A_707] {strides = array<i32>} : memref<64x32xf32, #tpu.memory_space<vmem>>, vector<1x16xf32>,
      %swap3A_709 = vector.shape_cast %swap3A_708 : vector<1x16xf32> to vector<16xf32>
      %swap3A_710 = vector.shape_cast %get3A_704 : vector<16xf32> to vector<1x16xf32>
      tpu.vector_store %arg6[%swap3A_706, %swap3A_707], %swap3A_710 {strides = array<i32>} : memref<64x32xf32, #tpu.memory_space<vmem>>, vector<1x16xf32>,
      %get3A_711 = arith.constant 31 : i32
      %get3A_712 = arith.index_cast %get3A_711 : i32 to index
      %get3A_713 = arith.constant 0 : index
      %get3A_714 = tpu.vector_load %arg5[%get3A_712, %get3A_713] {strides = array<i32>} : memref<64x32xf32, #tpu.memory_space<vmem>>, vector<1x16xf32>,
      %get3A_715 = vector.shape_cast %get3A_714 : vector<1x16xf32> to vector<16xf32>
      %swap3A_716 = arith.constant 31 : i32
      %swap3A_717 = arith.index_cast %swap3A_716 : i32 to index
      %swap3A_718 = arith.constant 0 : index
      %swap3A_719 = tpu.vector_load %arg6[%swap3A_717, %swap3A_718] {strides = array<i32>} : memref<64x32xf32, #tpu.memory_space<vmem>>, vector<1x16xf32>,
      %swap3A_720 = vector.shape_cast %swap3A_719 : vector<1x16xf32> to vector<16xf32>
      %swap3A_721 = vector.shape_cast %get3A_715 : vector<16xf32> to vector<1x16xf32>
      tpu.vector_store %arg6[%swap3A_717, %swap3A_718], %swap3A_721 {strides = array<i32>} : memref<64x32xf32, #tpu.memory_space<vmem>>, vector<1x16xf32>,
      %get3A_722 = arith.constant 31 : i32
      %get3A_723 = arith.index_cast %get3A_722 : i32 to index
      %get3A_724 = arith.constant 16 : index
      %get3A_725 = tpu.vector_load %arg5[%get3A_723, %get3A_724] {strides = array<i32>} : memref<64x32xf32, #tpu.memory_space<vmem>>, vector<1x16xf32>,
      %get3A_726 = vector.shape_cast %get3A_725 : vector<1x16xf32> to vector<16xf32>
      %swap3A_727 = arith.constant 31 : i32
      %swap3A_728 = arith.index_cast %swap3A_727 : i32 to index
      %swap3A_729 = arith.constant 16 : index
      %swap3A_730 = tpu.vector_load %arg6[%swap3A_728, %swap3A_729] {strides = array<i32>} : memref<64x32xf32, #tpu.memory_space<vmem>>, vector<1x16xf32>,
      %swap3A_731 = vector.shape_cast %swap3A_730 : vector<1x16xf32> to vector<16xf32>
      %swap3A_732 = vector.shape_cast %get3A_726 : vector<16xf32> to vector<1x16xf32>
      tpu.vector_store %arg6[%swap3A_728, %swap3A_729], %swap3A_732 {strides = array<i32>} : memref<64x32xf32, #tpu.memory_space<vmem>>, vector<1x16xf32>,
      %get3A_733 = arith.constant 32 : i32
      %get3A_734 = arith.index_cast %get3A_733 : i32 to index
      %get3A_735 = arith.constant 0 : index
      %get3A_736 = tpu.vector_load %arg5[%get3A_734, %get3A_735] {strides = array<i32>} : memref<64x32xf32, #tpu.memory_space<vmem>>, vector<1x16xf32>,
      %get3A_737 = vector.shape_cast %get3A_736 : vector<1x16xf32> to vector<16xf32>
      %swap3A_738 = arith.constant 32 : i32
      %swap3A_739 = arith.index_cast %swap3A_738 : i32 to index
      %swap3A_740 = arith.constant 0 : index
      %swap3A_741 = tpu.vector_load %arg6[%swap3A_739, %swap3A_740] {strides = array<i32>} : memref<64x32xf32, #tpu.memory_space<vmem>>, vector<1x16xf32>,
      %swap3A_742 = vector.shape_cast %swap3A_741 : vector<1x16xf32> to vector<16xf32>
      %swap3A_743 = vector.shape_cast %get3A_737 : vector<16xf32> to vector<1x16xf32>
      tpu.vector_store %arg6[%swap3A_739, %swap3A_740], %swap3A_743 {strides = array<i32>} : memref<64x32xf32, #tpu.memory_space<vmem>>, vector<1x16xf32>,
      %get3A_744 = arith.constant 32 : i32
      %get3A_745 = arith.index_cast %get3A_744 : i32 to index
      %get3A_746 = arith.constant 16 : index
      %get3A_747 = tpu.vector_load %arg5[%get3A_745, %get3A_746] {strides = array<i32>} : memref<64x32xf32, #tpu.memory_space<vmem>>, vector<1x16xf32>,
      %get3A_748 = vector.shape_cast %get3A_747 : vector<1x16xf32> to vector<16xf32>
      %swap3A_749 = arith.constant 32 : i32
      %swap3A_750 = arith.index_cast %swap3A_749 : i32 to index
      %swap3A_751 = arith.constant 16 : index
      %swap3A_752 = tpu.vector_load %arg6[%swap3A_750, %swap3A_751] {strides = array<i32>} : memref<64x32xf32, #tpu.memory_space<vmem>>, vector<1x16xf32>,
      %swap3A_753 = vector.shape_cast %swap3A_752 : vector<1x16xf32> to vector<16xf32>
      %swap3A_754 = vector.shape_cast %get3A_748 : vector<16xf32> to vector<1x16xf32>
      tpu.vector_store %arg6[%swap3A_750, %swap3A_751], %swap3A_754 {strides = array<i32>} : memref<64x32xf32, #tpu.memory_space<vmem>>, vector<1x16xf32>,
      %get3A_755 = arith.constant 33 : i32
      %get3A_756 = arith.index_cast %get3A_755 : i32 to index
      %get3A_757 = arith.constant 0 : index
      %get3A_758 = tpu.vector_load %arg5[%get3A_756, %get3A_757] {strides = array<i32>} : memref<64x32xf32, #tpu.memory_space<vmem>>, vector<1x16xf32>,
      %get3A_759 = vector.shape_cast %get3A_758 : vector<1x16xf32> to vector<16xf32>
      %swap3A_760 = arith.constant 33 : i32
      %swap3A_761 = arith.index_cast %swap3A_760 : i32 to index
      %swap3A_762 = arith.constant 0 : index
      %swap3A_763 = tpu.vector_load %arg6[%swap3A_761, %swap3A_762] {strides = array<i32>} : memref<64x32xf32, #tpu.memory_space<vmem>>, vector<1x16xf32>,
      %swap3A_764 = vector.shape_cast %swap3A_763 : vector<1x16xf32> to vector<16xf32>
      %swap3A_765 = vector.shape_cast %get3A_759 : vector<16xf32> to vector<1x16xf32>
      tpu.vector_store %arg6[%swap3A_761, %swap3A_762], %swap3A_765 {strides = array<i32>} : memref<64x32xf32, #tpu.memory_space<vmem>>, vector<1x16xf32>,
      %get3A_766 = arith.constant 33 : i32
      %get3A_767 = arith.index_cast %get3A_766 : i32 to index
      %get3A_768 = arith.constant 16 : index
      %get3A_769 = tpu.vector_load %arg5[%get3A_767, %get3A_768] {strides = array<i32>} : memref<64x32xf32, #tpu.memory_space<vmem>>, vector<1x16xf32>,
      %get3A_770 = vector.shape_cast %get3A_769 : vector<1x16xf32> to vector<16xf32>
      %swap3A_771 = arith.constant 33 : i32
      %swap3A_772 = arith.index_cast %swap3A_771 : i32 to index
      %swap3A_773 = arith.constant 16 : index
      %swap3A_774 = tpu.vector_load %arg6[%swap3A_772, %swap3A_773] {strides = array<i32>} : memref<64x32xf32, #tpu.memory_space<vmem>>, vector<1x16xf32>,
      %swap3A_775 = vector.shape_cast %swap3A_774 : vector<1x16xf32> to vector<16xf32>
      %swap3A_776 = vector.shape_cast %get3A_770 : vector<16xf32> to vector<1x16xf32>
      tpu.vector_store %arg6[%swap3A_772, %swap3A_773], %swap3A_776 {strides = array<i32>} : memref<64x32xf32, #tpu.memory_space<vmem>>, vector<1x16xf32>,
      %get3A_777 = arith.constant 34 : i32
      %get3A_778 = arith.index_cast %get3A_777 : i32 to index
      %get3A_779 = arith.constant 0 : index
      %get3A_780 = tpu.vector_load %arg5[%get3A_778, %get3A_779] {strides = array<i32>} : memref<64x32xf32, #tpu.memory_space<vmem>>, vector<1x16xf32>,
      %get3A_781 = vector.shape_cast %get3A_780 : vector<1x16xf32> to vector<16xf32>
      %swap3A_782 = arith.constant 34 : i32
      %swap3A_783 = arith.index_cast %swap3A_782 : i32 to index
      %swap3A_784 = arith.constant 0 : index
      %swap3A_785 = tpu.vector_load %arg6[%swap3A_783, %swap3A_784] {strides = array<i32>} : memref<64x32xf32, #tpu.memory_space<vmem>>, vector<1x16xf32>,
      %swap3A_786 = vector.shape_cast %swap3A_785 : vector<1x16xf32> to vector<16xf32>
      %swap3A_787 = vector.shape_cast %get3A_781 : vector<16xf32> to vector<1x16xf32>
      tpu.vector_store %arg6[%swap3A_783, %swap3A_784], %swap3A_787 {strides = array<i32>} : memref<64x32xf32, #tpu.memory_space<vmem>>, vector<1x16xf32>,
      %get3A_788 = arith.constant 34 : i32
      %get3A_789 = arith.index_cast %get3A_788 : i32 to index
      %get3A_790 = arith.constant 16 : index
      %get3A_791 = tpu.vector_load %arg5[%get3A_789, %get3A_790] {strides = array<i32>} : memref<64x32xf32, #tpu.memory_space<vmem>>, vector<1x16xf32>,
      %get3A_792 = vector.shape_cast %get3A_791 : vector<1x16xf32> to vector<16xf32>
      %swap3A_793 = arith.constant 34 : i32
      %swap3A_794 = arith.index_cast %swap3A_793 : i32 to index
      %swap3A_795 = arith.constant 16 : index
      %swap3A_796 = tpu.vector_load %arg6[%swap3A_794, %swap3A_795] {strides = array<i32>} : memref<64x32xf32, #tpu.memory_space<vmem>>, vector<1x16xf32>,
      %swap3A_797 = vector.shape_cast %swap3A_796 : vector<1x16xf32> to vector<16xf32>
      %swap3A_798 = vector.shape_cast %get3A_792 : vector<16xf32> to vector<1x16xf32>
      tpu.vector_store %arg6[%swap3A_794, %swap3A_795], %swap3A_798 {strides = array<i32>} : memref<64x32xf32, #tpu.memory_space<vmem>>, vector<1x16xf32>,
      %get3A_799 = arith.constant 35 : i32
      %get3A_800 = arith.index_cast %get3A_799 : i32 to index
      %get3A_801 = arith.constant 0 : index
      %get3A_802 = tpu.vector_load %arg5[%get3A_800, %get3A_801] {strides = array<i32>} : memref<64x32xf32, #tpu.memory_space<vmem>>, vector<1x16xf32>,
      %get3A_803 = vector.shape_cast %get3A_802 : vector<1x16xf32> to vector<16xf32>
      %swap3A_804 = arith.constant 35 : i32
      %swap3A_805 = arith.index_cast %swap3A_804 : i32 to index
      %swap3A_806 = arith.constant 0 : index
      %swap3A_807 = tpu.vector_load %arg6[%swap3A_805, %swap3A_806] {strides = array<i32>} : memref<64x32xf32, #tpu.memory_space<vmem>>, vector<1x16xf32>,
      %swap3A_808 = vector.shape_cast %swap3A_807 : vector<1x16xf32> to vector<16xf32>
      %swap3A_809 = vector.shape_cast %get3A_803 : vector<16xf32> to vector<1x16xf32>
      tpu.vector_store %arg6[%swap3A_805, %swap3A_806], %swap3A_809 {strides = array<i32>} : memref<64x32xf32, #tpu.memory_space<vmem>>, vector<1x16xf32>,
      %get3A_810 = arith.constant 35 : i32
      %get3A_811 = arith.index_cast %get3A_810 : i32 to index
      %get3A_812 = arith.constant 16 : index
      %get3A_813 = tpu.vector_load %arg5[%get3A_811, %get3A_812] {strides = array<i32>} : memref<64x32xf32, #tpu.memory_space<vmem>>, vector<1x16xf32>,
      %get3A_814 = vector.shape_cast %get3A_813 : vector<1x16xf32> to vector<16xf32>
      %swap3A_815 = arith.constant 35 : i32
      %swap3A_816 = arith.index_cast %swap3A_815 : i32 to index
      %swap3A_817 = arith.constant 16 : index
      %swap3A_818 = tpu.vector_load %arg6[%swap3A_816, %swap3A_817] {strides = array<i32>} : memref<64x32xf32, #tpu.memory_space<vmem>>, vector<1x16xf32>,
      %swap3A_819 = vector.shape_cast %swap3A_818 : vector<1x16xf32> to vector<16xf32>
      %swap3A_820 = vector.shape_cast %get3A_814 : vector<16xf32> to vector<1x16xf32>
      tpu.vector_store %arg6[%swap3A_816, %swap3A_817], %swap3A_820 {strides = array<i32>} : memref<64x32xf32, #tpu.memory_space<vmem>>, vector<1x16xf32>,
      %get3A_821 = arith.constant 36 : i32
      %get3A_822 = arith.index_cast %get3A_821 : i32 to index
      %get3A_823 = arith.constant 0 : index
      %get3A_824 = tpu.vector_load %arg5[%get3A_822, %get3A_823] {strides = array<i32>} : memref<64x32xf32, #tpu.memory_space<vmem>>, vector<1x16xf32>,
      %get3A_825 = vector.shape_cast %get3A_824 : vector<1x16xf32> to vector<16xf32>
      %swap3A_826 = arith.constant 36 : i32
      %swap3A_827 = arith.index_cast %swap3A_826 : i32 to index
      %swap3A_828 = arith.constant 0 : index
      %swap3A_829 = tpu.vector_load %arg6[%swap3A_827, %swap3A_828] {strides = array<i32>} : memref<64x32xf32, #tpu.memory_space<vmem>>, vector<1x16xf32>,
      %swap3A_830 = vector.shape_cast %swap3A_829 : vector<1x16xf32> to vector<16xf32>
      %swap3A_831 = vector.shape_cast %get3A_825 : vector<16xf32> to vector<1x16xf32>
      tpu.vector_store %arg6[%swap3A_827, %swap3A_828], %swap3A_831 {strides = array<i32>} : memref<64x32xf32, #tpu.memory_space<vmem>>, vector<1x16xf32>,
      %get3A_832 = arith.constant 36 : i32
      %get3A_833 = arith.index_cast %get3A_832 : i32 to index
      %get3A_834 = arith.constant 16 : index
      %get3A_835 = tpu.vector_load %arg5[%get3A_833, %get3A_834] {strides = array<i32>} : memref<64x32xf32, #tpu.memory_space<vmem>>, vector<1x16xf32>,
      %get3A_836 = vector.shape_cast %get3A_835 : vector<1x16xf32> to vector<16xf32>
      %swap3A_837 = arith.constant 36 : i32
      %swap3A_838 = arith.index_cast %swap3A_837 : i32 to index
      %swap3A_839 = arith.constant 16 : index
      %swap3A_840 = tpu.vector_load %arg6[%swap3A_838, %swap3A_839] {strides = array<i32>} : memref<64x32xf32, #tpu.memory_space<vmem>>, vector<1x16xf32>,
      %swap3A_841 = vector.shape_cast %swap3A_840 : vector<1x16xf32> to vector<16xf32>
      %swap3A_842 = vector.shape_cast %get3A_836 : vector<16xf32> to vector<1x16xf32>
      tpu.vector_store %arg6[%swap3A_838, %swap3A_839], %swap3A_842 {strides = array<i32>} : memref<64x32xf32, #tpu.memory_space<vmem>>, vector<1x16xf32>,
      %get3A_843 = arith.constant 37 : i32
      %get3A_844 = arith.index_cast %get3A_843 : i32 to index
      %get3A_845 = arith.constant 0 : index
      %get3A_846 = tpu.vector_load %arg5[%get3A_844, %get3A_845] {strides = array<i32>} : memref<64x32xf32, #tpu.memory_space<vmem>>, vector<1x16xf32>,
      %get3A_847 = vector.shape_cast %get3A_846 : vector<1x16xf32> to vector<16xf32>
      %swap3A_848 = arith.constant 37 : i32
      %swap3A_849 = arith.index_cast %swap3A_848 : i32 to index
      %swap3A_850 = arith.constant 0 : index
      %swap3A_851 = tpu.vector_load %arg6[%swap3A_849, %swap3A_850] {strides = array<i32>} : memref<64x32xf32, #tpu.memory_space<vmem>>, vector<1x16xf32>,
      %swap3A_852 = vector.shape_cast %swap3A_851 : vector<1x16xf32> to vector<16xf32>
      %swap3A_853 = vector.shape_cast %get3A_847 : vector<16xf32> to vector<1x16xf32>
      tpu.vector_store %arg6[%swap3A_849, %swap3A_850], %swap3A_853 {strides = array<i32>} : memref<64x32xf32, #tpu.memory_space<vmem>>, vector<1x16xf32>,
      %get3A_854 = arith.constant 37 : i32
      %get3A_855 = arith.index_cast %get3A_854 : i32 to index
      %get3A_856 = arith.constant 16 : index
      %get3A_857 = tpu.vector_load %arg5[%get3A_855, %get3A_856] {strides = array<i32>} : memref<64x32xf32, #tpu.memory_space<vmem>>, vector<1x16xf32>,
      %get3A_858 = vector.shape_cast %get3A_857 : vector<1x16xf32> to vector<16xf32>
      %swap3A_859 = arith.constant 37 : i32
      %swap3A_860 = arith.index_cast %swap3A_859 : i32 to index
      %swap3A_861 = arith.constant 16 : index
      %swap3A_862 = tpu.vector_load %arg6[%swap3A_860, %swap3A_861] {strides = array<i32>} : memref<64x32xf32, #tpu.memory_space<vmem>>, vector<1x16xf32>,
      %swap3A_863 = vector.shape_cast %swap3A_862 : vector<1x16xf32> to vector<16xf32>
      %swap3A_864 = vector.shape_cast %get3A_858 : vector<16xf32> to vector<1x16xf32>
      tpu.vector_store %arg6[%swap3A_860, %swap3A_861], %swap3A_864 {strides = array<i32>} : memref<64x32xf32, #tpu.memory_space<vmem>>, vector<1x16xf32>,
      %get3A_865 = arith.constant 38 : i32
      %get3A_866 = arith.index_cast %get3A_865 : i32 to index
      %get3A_867 = arith.constant 0 : index
      %get3A_868 = tpu.vector_load %arg5[%get3A_866, %get3A_867] {strides = array<i32>} : memref<64x32xf32, #tpu.memory_space<vmem>>, vector<1x16xf32>,
      %get3A_869 = vector.shape_cast %get3A_868 : vector<1x16xf32> to vector<16xf32>
      %swap3A_870 = arith.constant 38 : i32
      %swap3A_871 = arith.index_cast %swap3A_870 : i32 to index
      %swap3A_872 = arith.constant 0 : index
      %swap3A_873 = tpu.vector_load %arg6[%swap3A_871, %swap3A_872] {strides = array<i32>} : memref<64x32xf32, #tpu.memory_space<vmem>>, vector<1x16xf32>,
      %swap3A_874 = vector.shape_cast %swap3A_873 : vector<1x16xf32> to vector<16xf32>
      %swap3A_875 = vector.shape_cast %get3A_869 : vector<16xf32> to vector<1x16xf32>
      tpu.vector_store %arg6[%swap3A_871, %swap3A_872], %swap3A_875 {strides = array<i32>} : memref<64x32xf32, #tpu.memory_space<vmem>>, vector<1x16xf32>,
      %get3A_876 = arith.constant 38 : i32
      %get3A_877 = arith.index_cast %get3A_876 : i32 to index
      %get3A_878 = arith.constant 16 : index
      %get3A_879 = tpu.vector_load %arg5[%get3A_877, %get3A_878] {strides = array<i32>} : memref<64x32xf32, #tpu.memory_space<vmem>>, vector<1x16xf32>,
      %get3A_880 = vector.shape_cast %get3A_879 : vector<1x16xf32> to vector<16xf32>
      %swap3A_881 = arith.constant 38 : i32
      %swap3A_882 = arith.index_cast %swap3A_881 : i32 to index
      %swap3A_883 = arith.constant 16 : index
      %swap3A_884 = tpu.vector_load %arg6[%swap3A_882, %swap3A_883] {strides = array<i32>} : memref<64x32xf32, #tpu.memory_space<vmem>>, vector<1x16xf32>,
      %swap3A_885 = vector.shape_cast %swap3A_884 : vector<1x16xf32> to vector<16xf32>
      %swap3A_886 = vector.shape_cast %get3A_880 : vector<16xf32> to vector<1x16xf32>
      tpu.vector_store %arg6[%swap3A_882, %swap3A_883], %swap3A_886 {strides = array<i32>} : memref<64x32xf32, #tpu.memory_space<vmem>>, vector<1x16xf32>,
      %get3A_887 = arith.constant 39 : i32
      %get3A_888 = arith.index_cast %get3A_887 : i32 to index
      %get3A_889 = arith.constant 0 : index
      %get3A_890 = tpu.vector_load %arg5[%get3A_888, %get3A_889] {strides = array<i32>} : memref<64x32xf32, #tpu.memory_space<vmem>>, vector<1x16xf32>,
      %get3A_891 = vector.shape_cast %get3A_890 : vector<1x16xf32> to vector<16xf32>
      %swap3A_892 = arith.constant 39 : i32
      %swap3A_893 = arith.index_cast %swap3A_892 : i32 to index
      %swap3A_894 = arith.constant 0 : index
      %swap3A_895 = tpu.vector_load %arg6[%swap3A_893, %swap3A_894] {strides = array<i32>} : memref<64x32xf32, #tpu.memory_space<vmem>>, vector<1x16xf32>,
      %swap3A_896 = vector.shape_cast %swap3A_895 : vector<1x16xf32> to vector<16xf32>
      %swap3A_897 = vector.shape_cast %get3A_891 : vector<16xf32> to vector<1x16xf32>
      tpu.vector_store %arg6[%swap3A_893, %swap3A_894], %swap3A_897 {strides = array<i32>} : memref<64x32xf32, #tpu.memory_space<vmem>>, vector<1x16xf32>,
      %get3A_898 = arith.constant 39 : i32
      %get3A_899 = arith.index_cast %get3A_898 : i32 to index
      %get3A_900 = arith.constant 16 : index
      %get3A_901 = tpu.vector_load %arg5[%get3A_899, %get3A_900] {strides = array<i32>} : memref<64x32xf32, #tpu.memory_space<vmem>>, vector<1x16xf32>,
      %get3A_902 = vector.shape_cast %get3A_901 : vector<1x16xf32> to vector<16xf32>
      %swap3A_903 = arith.constant 39 : i32
      %swap3A_904 = arith.index_cast %swap3A_903 : i32 to index
      %swap3A_905 = arith.constant 16 : index
      %swap3A_906 = tpu.vector_load %arg6[%swap3A_904, %swap3A_905] {strides = array<i32>} : memref<64x32xf32, #tpu.memory_space<vmem>>, vector<1x16xf32>,
      %swap3A_907 = vector.shape_cast %swap3A_906 : vector<1x16xf32> to vector<16xf32>
      %swap3A_908 = vector.shape_cast %get3A_902 : vector<16xf32> to vector<1x16xf32>
      tpu.vector_store %arg6[%swap3A_904, %swap3A_905], %swap3A_908 {strides = array<i32>} : memref<64x32xf32, #tpu.memory_space<vmem>>, vector<1x16xf32>,
      %get3A_909 = arith.constant 40 : i32
      %get3A_910 = arith.index_cast %get3A_909 : i32 to index
      %get3A_911 = arith.constant 0 : index
      %get3A_912 = tpu.vector_load %arg5[%get3A_910, %get3A_911] {strides = array<i32>} : memref<64x32xf32, #tpu.memory_space<vmem>>, vector<1x16xf32>,
      %get3A_913 = vector.shape_cast %get3A_912 : vector<1x16xf32> to vector<16xf32>
      %swap3A_914 = arith.constant 40 : i32
      %swap3A_915 = arith.index_cast %swap3A_914 : i32 to index
      %swap3A_916 = arith.constant 0 : index
      %swap3A_917 = tpu.vector_load %arg6[%swap3A_915, %swap3A_916] {strides = array<i32>} : memref<64x32xf32, #tpu.memory_space<vmem>>, vector<1x16xf32>,
      %swap3A_918 = vector.shape_cast %swap3A_917 : vector<1x16xf32> to vector<16xf32>
      %swap3A_919 = vector.shape_cast %get3A_913 : vector<16xf32> to vector<1x16xf32>
      tpu.vector_store %arg6[%swap3A_915, %swap3A_916], %swap3A_919 {strides = array<i32>} : memref<64x32xf32, #tpu.memory_space<vmem>>, vector<1x16xf32>,
      %get3A_920 = arith.constant 40 : i32
      %get3A_921 = arith.index_cast %get3A_920 : i32 to index
      %get3A_922 = arith.constant 16 : index
      %get3A_923 = tpu.vector_load %arg5[%get3A_921, %get3A_922] {strides = array<i32>} : memref<64x32xf32, #tpu.memory_space<vmem>>, vector<1x16xf32>,
      %get3A_924 = vector.shape_cast %get3A_923 : vector<1x16xf32> to vector<16xf32>
      %swap3A_925 = arith.constant 40 : i32
      %swap3A_926 = arith.index_cast %swap3A_925 : i32 to index
      %swap3A_927 = arith.constant 16 : index
      %swap3A_928 = tpu.vector_load %arg6[%swap3A_926, %swap3A_927] {strides = array<i32>} : memref<64x32xf32, #tpu.memory_space<vmem>>, vector<1x16xf32>,
      %swap3A_929 = vector.shape_cast %swap3A_928 : vector<1x16xf32> to vector<16xf32>
      %swap3A_930 = vector.shape_cast %get3A_924 : vector<16xf32> to vector<1x16xf32>
      tpu.vector_store %arg6[%swap3A_926, %swap3A_927], %swap3A_930 {strides = array<i32>} : memref<64x32xf32, #tpu.memory_space<vmem>>, vector<1x16xf32>,
      %get3A_931 = arith.constant 41 : i32
      %get3A_932 = arith.index_cast %get3A_931 : i32 to index
      %get3A_933 = arith.constant 0 : index
      %get3A_934 = tpu.vector_load %arg5[%get3A_932, %get3A_933] {strides = array<i32>} : memref<64x32xf32, #tpu.memory_space<vmem>>, vector<1x16xf32>,
      %get3A_935 = vector.shape_cast %get3A_934 : vector<1x16xf32> to vector<16xf32>
      %swap3A_936 = arith.constant 41 : i32
      %swap3A_937 = arith.index_cast %swap3A_936 : i32 to index
      %swap3A_938 = arith.constant 0 : index
      %swap3A_939 = tpu.vector_load %arg6[%swap3A_937, %swap3A_938] {strides = array<i32>} : memref<64x32xf32, #tpu.memory_space<vmem>>, vector<1x16xf32>,
      %swap3A_940 = vector.shape_cast %swap3A_939 : vector<1x16xf32> to vector<16xf32>
      %swap3A_941 = vector.shape_cast %get3A_935 : vector<16xf32> to vector<1x16xf32>
      tpu.vector_store %arg6[%swap3A_937, %swap3A_938], %swap3A_941 {strides = array<i32>} : memref<64x32xf32, #tpu.memory_space<vmem>>, vector<1x16xf32>,
      %get3A_942 = arith.constant 41 : i32
      %get3A_943 = arith.index_cast %get3A_942 : i32 to index
      %get3A_944 = arith.constant 16 : index
      %get3A_945 = tpu.vector_load %arg5[%get3A_943, %get3A_944] {strides = array<i32>} : memref<64x32xf32, #tpu.memory_space<vmem>>, vector<1x16xf32>,
      %get3A_946 = vector.shape_cast %get3A_945 : vector<1x16xf32> to vector<16xf32>
      %swap3A_947 = arith.constant 41 : i32
      %swap3A_948 = arith.index_cast %swap3A_947 : i32 to index
      %swap3A_949 = arith.constant 16 : index
      %swap3A_950 = tpu.vector_load %arg6[%swap3A_948, %swap3A_949] {strides = array<i32>} : memref<64x32xf32, #tpu.memory_space<vmem>>, vector<1x16xf32>,
      %swap3A_951 = vector.shape_cast %swap3A_950 : vector<1x16xf32> to vector<16xf32>
      %swap3A_952 = vector.shape_cast %get3A_946 : vector<16xf32> to vector<1x16xf32>
      tpu.vector_store %arg6[%swap3A_948, %swap3A_949], %swap3A_952 {strides = array<i32>} : memref<64x32xf32, #tpu.memory_space<vmem>>, vector<1x16xf32>,
      %get3A_953 = arith.constant 42 : i32
      %get3A_954 = arith.index_cast %get3A_953 : i32 to index
      %get3A_955 = arith.constant 0 : index
      %get3A_956 = tpu.vector_load %arg5[%get3A_954, %get3A_955] {strides = array<i32>} : memref<64x32xf32, #tpu.memory_space<vmem>>, vector<1x16xf32>,
      %get3A_957 = vector.shape_cast %get3A_956 : vector<1x16xf32> to vector<16xf32>
      %swap3A_958 = arith.constant 42 : i32
      %swap3A_959 = arith.index_cast %swap3A_958 : i32 to index
      %swap3A_960 = arith.constant 0 : index
      %swap3A_961 = tpu.vector_load %arg6[%swap3A_959, %swap3A_960] {strides = array<i32>} : memref<64x32xf32, #tpu.memory_space<vmem>>, vector<1x16xf32>,
      %swap3A_962 = vector.shape_cast %swap3A_961 : vector<1x16xf32> to vector<16xf32>
      %swap3A_963 = vector.shape_cast %get3A_957 : vector<16xf32> to vector<1x16xf32>
      tpu.vector_store %arg6[%swap3A_959, %swap3A_960], %swap3A_963 {strides = array<i32>} : memref<64x32xf32, #tpu.memory_space<vmem>>, vector<1x16xf32>,
      %get3A_964 = arith.constant 42 : i32
      %get3A_965 = arith.index_cast %get3A_964 : i32 to index
      %get3A_966 = arith.constant 16 : index
      %get3A_967 = tpu.vector_load %arg5[%get3A_965, %get3A_966] {strides = array<i32>} : memref<64x32xf32, #tpu.memory_space<vmem>>, vector<1x16xf32>,
      %get3A_968 = vector.shape_cast %get3A_967 : vector<1x16xf32> to vector<16xf32>
      %swap3A_969 = arith.constant 42 : i32
      %swap3A_970 = arith.index_cast %swap3A_969 : i32 to index
      %swap3A_971 = arith.constant 16 : index
      %swap3A_972 = tpu.vector_load %arg6[%swap3A_970, %swap3A_971] {strides = array<i32>} : memref<64x32xf32, #tpu.memory_space<vmem>>, vector<1x16xf32>,
      %swap3A_973 = vector.shape_cast %swap3A_972 : vector<1x16xf32> to vector<16xf32>
      %swap3A_974 = vector.shape_cast %get3A_968 : vector<16xf32> to vector<1x16xf32>
      tpu.vector_store %arg6[%swap3A_970, %swap3A_971], %swap3A_974 {strides = array<i32>} : memref<64x32xf32, #tpu.memory_space<vmem>>, vector<1x16xf32>,
      %get3A_975 = arith.constant 43 : i32
      %get3A_976 = arith.index_cast %get3A_975 : i32 to index
      %get3A_977 = arith.constant 0 : index
      %get3A_978 = tpu.vector_load %arg5[%get3A_976, %get3A_977] {strides = array<i32>} : memref<64x32xf32, #tpu.memory_space<vmem>>, vector<1x16xf32>,
      %get3A_979 = vector.shape_cast %get3A_978 : vector<1x16xf32> to vector<16xf32>
      %swap3A_980 = arith.constant 43 : i32
      %swap3A_981 = arith.index_cast %swap3A_980 : i32 to index
      %swap3A_982 = arith.constant 0 : index
      %swap3A_983 = tpu.vector_load %arg6[%swap3A_981, %swap3A_982] {strides = array<i32>} : memref<64x32xf32, #tpu.memory_space<vmem>>, vector<1x16xf32>,
      %swap3A_984 = vector.shape_cast %swap3A_983 : vector<1x16xf32> to vector<16xf32>
      %swap3A_985 = vector.shape_cast %get3A_979 : vector<16xf32> to vector<1x16xf32>
      tpu.vector_store %arg6[%swap3A_981, %swap3A_982], %swap3A_985 {strides = array<i32>} : memref<64x32xf32, #tpu.memory_space<vmem>>, vector<1x16xf32>,
      %get3A_986 = arith.constant 43 : i32
      %get3A_987 = arith.index_cast %get3A_986 : i32 to index
      %get3A_988 = arith.constant 16 : index
      %get3A_989 = tpu.vector_load %arg5[%get3A_987, %get3A_988] {strides = array<i32>} : memref<64x32xf32, #tpu.memory_space<vmem>>, vector<1x16xf32>,
      %get3A_990 = vector.shape_cast %get3A_989 : vector<1x16xf32> to vector<16xf32>
      %swap3A_991 = arith.constant 43 : i32
      %swap3A_992 = arith.index_cast %swap3A_991 : i32 to index
      %swap3A_993 = arith.constant 16 : index
      %swap3A_994 = tpu.vector_load %arg6[%swap3A_992, %swap3A_993] {strides = array<i32>} : memref<64x32xf32, #tpu.memory_space<vmem>>, vector<1x16xf32>,
      %swap3A_995 = vector.shape_cast %swap3A_994 : vector<1x16xf32> to vector<16xf32>
      %swap3A_996 = vector.shape_cast %get3A_990 : vector<16xf32> to vector<1x16xf32>
      tpu.vector_store %arg6[%swap3A_992, %swap3A_993], %swap3A_996 {strides = array<i32>} : memref<64x32xf32, #tpu.memory_space<vmem>>, vector<1x16xf32>,
      %get3A_997 = arith.constant 44 : i32
      %get3A_998 = arith.index_cast %get3A_997 : i32 to index
      %get3A_999 = arith.constant 0 : index
      %get3A_1000 = tpu.vector_load %arg5[%get3A_998, %get3A_999] {strides = array<i32>} : memref<64x32xf32, #tpu.memory_space<vmem>>, vector<1x16xf32>,
      %get3A_1001 = vector.shape_cast %get3A_1000 : vector<1x16xf32> to vector<16xf32>
      %swap3A_1002 = arith.constant 44 : i32
      %swap3A_1003 = arith.index_cast %swap3A_1002 : i32 to index
      %swap3A_1004 = arith.constant 0 : index
      %swap3A_1005 = tpu.vector_load %arg6[%swap3A_1003, %swap3A_1004] {strides = array<i32>} : memref<64x32xf32, #tpu.memory_space<vmem>>, vector<1x16xf32>,
      %swap3A_1006 = vector.shape_cast %swap3A_1005 : vector<1x16xf32> to vector<16xf32>
      %swap3A_1007 = vector.shape_cast %get3A_1001 : vector<16xf32> to vector<1x16xf32>
      tpu.vector_store %arg6[%swap3A_1003, %swap3A_1004], %swap3A_1007 {strides = array<i32>} : memref<64x32xf32, #tpu.memory_space<vmem>>, vector<1x16xf32>,
      %get3A_1008 = arith.constant 44 : i32
      %get3A_1009 = arith.index_cast %get3A_1008 : i32 to index
      %get3A_1010 = arith.constant 16 : index
      %get3A_1011 = tpu.vector_load %arg5[%get3A_1009, %get3A_1010] {strides = array<i32>} : memref<64x32xf32, #tpu.memory_space<vmem>>, vector<1x16xf32>,
      %get3A_1012 = vector.shape_cast %get3A_1011 : vector<1x16xf32> to vector<16xf32>
      %swap3A_1013 = arith.constant 44 : i32
      %swap3A_1014 = arith.index_cast %swap3A_1013 : i32 to index
      %swap3A_1015 = arith.constant 16 : index
      %swap3A_1016 = tpu.vector_load %arg6[%swap3A_1014, %swap3A_1015] {strides = array<i32>} : memref<64x32xf32, #tpu.memory_space<vmem>>, vector<1x16xf32>,
      %swap3A_1017 = vector.shape_cast %swap3A_1016 : vector<1x16xf32> to vector<16xf32>
      %swap3A_1018 = vector.shape_cast %get3A_1012 : vector<16xf32> to vector<1x16xf32>
      tpu.vector_store %arg6[%swap3A_1014, %swap3A_1015], %swap3A_1018 {strides = array<i32>} : memref<64x32xf32, #tpu.memory_space<vmem>>, vector<1x16xf32>,
      %get3A_1019 = arith.constant 45 : i32
      %get3A_1020 = arith.index_cast %get3A_1019 : i32 to index
      %get3A_1021 = arith.constant 0 : index
      %get3A_1022 = tpu.vector_load %arg5[%get3A_1020, %get3A_1021] {strides = array<i32>} : memref<64x32xf32, #tpu.memory_space<vmem>>, vector<1x16xf32>,
      %get3A_1023 = vector.shape_cast %get3A_1022 : vector<1x16xf32> to vector<16xf32>
      %swap3A_1024 = arith.constant 45 : i32
      %swap3A_1025 = arith.index_cast %swap3A_1024 : i32 to index
      %swap3A_1026 = arith.constant 0 : index
      %swap3A_1027 = tpu.vector_load %arg6[%swap3A_1025, %swap3A_1026] {strides = array<i32>} : memref<64x32xf32, #tpu.memory_space<vmem>>, vector<1x16xf32>,
      %swap3A_1028 = vector.shape_cast %swap3A_1027 : vector<1x16xf32> to vector<16xf32>
      %swap3A_1029 = vector.shape_cast %get3A_1023 : vector<16xf32> to vector<1x16xf32>
      tpu.vector_store %arg6[%swap3A_1025, %swap3A_1026], %swap3A_1029 {strides = array<i32>} : memref<64x32xf32, #tpu.memory_space<vmem>>, vector<1x16xf32>,
      %get3A_1030 = arith.constant 45 : i32
      %get3A_1031 = arith.index_cast %get3A_1030 : i32 to index
      %get3A_1032 = arith.constant 16 : index
      %get3A_1033 = tpu.vector_load %arg5[%get3A_1031, %get3A_1032] {strides = array<i32>} : memref<64x32xf32, #tpu.memory_space<vmem>>, vector<1x16xf32>,
      %get3A_1034 = vector.shape_cast %get3A_1033 : vector<1x16xf32> to vector<16xf32>
      %swap3A_1035 = arith.constant 45 : i32
      %swap3A_1036 = arith.index_cast %swap3A_1035 : i32 to index
      %swap3A_1037 = arith.constant 16 : index
      %swap3A_1038 = tpu.vector_load %arg6[%swap3A_1036, %swap3A_1037] {strides = array<i32>} : memref<64x32xf32, #tpu.memory_space<vmem>>, vector<1x16xf32>,
      %swap3A_1039 = vector.shape_cast %swap3A_1038 : vector<1x16xf32> to vector<16xf32>
      %swap3A_1040 = vector.shape_cast %get3A_1034 : vector<16xf32> to vector<1x16xf32>
      tpu.vector_store %arg6[%swap3A_1036, %swap3A_1037], %swap3A_1040 {strides = array<i32>} : memref<64x32xf32, #tpu.memory_space<vmem>>, vector<1x16xf32>,
      %get3A_1041 = arith.constant 46 : i32
      %get3A_1042 = arith.index_cast %get3A_1041 : i32 to index
      %get3A_1043 = arith.constant 0 : index
      %get3A_1044 = tpu.vector_load %arg5[%get3A_1042, %get3A_1043] {strides = array<i32>} : memref<64x32xf32, #tpu.memory_space<vmem>>, vector<1x16xf32>,
      %get3A_1045 = vector.shape_cast %get3A_1044 : vector<1x16xf32> to vector<16xf32>
      %swap3A_1046 = arith.constant 46 : i32
      %swap3A_1047 = arith.index_cast %swap3A_1046 : i32 to index
      %swap3A_1048 = arith.constant 0 : index
      %swap3A_1049 = tpu.vector_load %arg6[%swap3A_1047, %swap3A_1048] {strides = array<i32>} : memref<64x32xf32, #tpu.memory_space<vmem>>, vector<1x16xf32>,
      %swap3A_1050 = vector.shape_cast %swap3A_1049 : vector<1x16xf32> to vector<16xf32>
      %swap3A_1051 = vector.shape_cast %get3A_1045 : vector<16xf32> to vector<1x16xf32>
      tpu.vector_store %arg6[%swap3A_1047, %swap3A_1048], %swap3A_1051 {strides = array<i32>} : memref<64x32xf32, #tpu.memory_space<vmem>>, vector<1x16xf32>,
      %get3A_1052 = arith.constant 46 : i32
      %get3A_1053 = arith.index_cast %get3A_1052 : i32 to index
      %get3A_1054 = arith.constant 16 : index
      %get3A_1055 = tpu.vector_load %arg5[%get3A_1053, %get3A_1054] {strides = array<i32>} : memref<64x32xf32, #tpu.memory_space<vmem>>, vector<1x16xf32>,
      %get3A_1056 = vector.shape_cast %get3A_1055 : vector<1x16xf32> to vector<16xf32>
      %swap3A_1057 = arith.constant 46 : i32
      %swap3A_1058 = arith.index_cast %swap3A_1057 : i32 to index
      %swap3A_1059 = arith.constant 16 : index
      %swap3A_1060 = tpu.vector_load %arg6[%swap3A_1058, %swap3A_1059] {strides = array<i32>} : memref<64x32xf32, #tpu.memory_space<vmem>>, vector<1x16xf32>,
      %swap3A_1061 = vector.shape_cast %swap3A_1060 : vector<1x16xf32> to vector<16xf32>
      %swap3A_1062 = vector.shape_cast %get3A_1056 : vector<16xf32> to vector<1x16xf32>
      tpu.vector_store %arg6[%swap3A_1058, %swap3A_1059], %swap3A_1062 {strides = array<i32>} : memref<64x32xf32, #tpu.memory_space<vmem>>, vector<1x16xf32>,
      %get3A_1063 = arith.constant 47 : i32
      %get3A_1064 = arith.index_cast %get3A_1063 : i32 to index
      %get3A_1065 = arith.constant 0 : index
      %get3A_1066 = tpu.vector_load %arg5[%get3A_1064, %get3A_1065] {strides = array<i32>} : memref<64x32xf32, #tpu.memory_space<vmem>>, vector<1x16xf32>,
      %get3A_1067 = vector.shape_cast %get3A_1066 : vector<1x16xf32> to vector<16xf32>
      %swap3A_1068 = arith.constant 47 : i32
      %swap3A_1069 = arith.index_cast %swap3A_1068 : i32 to index
      %swap3A_1070 = arith.constant 0 : index
      %swap3A_1071 = tpu.vector_load %arg6[%swap3A_1069, %swap3A_1070] {strides = array<i32>} : memref<64x32xf32, #tpu.memory_space<vmem>>, vector<1x16xf32>,
      %swap3A_1072 = vector.shape_cast %swap3A_1071 : vector<1x16xf32> to vector<16xf32>
      %swap3A_1073 = vector.shape_cast %get3A_1067 : vector<16xf32> to vector<1x16xf32>
      tpu.vector_store %arg6[%swap3A_1069, %swap3A_1070], %swap3A_1073 {strides = array<i32>} : memref<64x32xf32, #tpu.memory_space<vmem>>, vector<1x16xf32>,
      %get3A_1074 = arith.constant 47 : i32
      %get3A_1075 = arith.index_cast %get3A_1074 : i32 to index
      %get3A_1076 = arith.constant 16 : index
      %get3A_1077 = tpu.vector_load %arg5[%get3A_1075, %get3A_1076] {strides = array<i32>} : memref<64x32xf32, #tpu.memory_space<vmem>>, vector<1x16xf32>,
      %get3A_1078 = vector.shape_cast %get3A_1077 : vector<1x16xf32> to vector<16xf32>
      %swap3A_1079 = arith.constant 47 : i32
      %swap3A_1080 = arith.index_cast %swap3A_1079 : i32 to index
      %swap3A_1081 = arith.constant 16 : index
      %swap3A_1082 = tpu.vector_load %arg6[%swap3A_1080, %swap3A_1081] {strides = array<i32>} : memref<64x32xf32, #tpu.memory_space<vmem>>, vector<1x16xf32>,
      %swap3A_1083 = vector.shape_cast %swap3A_1082 : vector<1x16xf32> to vector<16xf32>
      %swap3A_1084 = vector.shape_cast %get3A_1078 : vector<16xf32> to vector<1x16xf32>
      tpu.vector_store %arg6[%swap3A_1080, %swap3A_1081], %swap3A_1084 {strides = array<i32>} : memref<64x32xf32, #tpu.memory_space<vmem>>, vector<1x16xf32>,
      %get3A_1085 = arith.constant 48 : i32
      %get3A_1086 = arith.index_cast %get3A_1085 : i32 to index
      %get3A_1087 = arith.constant 0 : index
      %get3A_1088 = tpu.vector_load %arg5[%get3A_1086, %get3A_1087] {strides = array<i32>} : memref<64x32xf32, #tpu.memory_space<vmem>>, vector<1x16xf32>,
      %get3A_1089 = vector.shape_cast %get3A_1088 : vector<1x16xf32> to vector<16xf32>
      %swap3A_1090 = arith.constant 48 : i32
      %swap3A_1091 = arith.index_cast %swap3A_1090 : i32 to index
      %swap3A_1092 = arith.constant 0 : index
      %swap3A_1093 = tpu.vector_load %arg6[%swap3A_1091, %swap3A_1092] {strides = array<i32>} : memref<64x32xf32, #tpu.memory_space<vmem>>, vector<1x16xf32>,
      %swap3A_1094 = vector.shape_cast %swap3A_1093 : vector<1x16xf32> to vector<16xf32>
      %swap3A_1095 = vector.shape_cast %get3A_1089 : vector<16xf32> to vector<1x16xf32>
      tpu.vector_store %arg6[%swap3A_1091, %swap3A_1092], %swap3A_1095 {strides = array<i32>} : memref<64x32xf32, #tpu.memory_space<vmem>>, vector<1x16xf32>,
      %get3A_1096 = arith.constant 48 : i32
      %get3A_1097 = arith.index_cast %get3A_1096 : i32 to index
      %get3A_1098 = arith.constant 16 : index
      %get3A_1099 = tpu.vector_load %arg5[%get3A_1097, %get3A_1098] {strides = array<i32>} : memref<64x32xf32, #tpu.memory_space<vmem>>, vector<1x16xf32>,
      %get3A_1100 = vector.shape_cast %get3A_1099 : vector<1x16xf32> to vector<16xf32>
      %swap3A_1101 = arith.constant 48 : i32
      %swap3A_1102 = arith.index_cast %swap3A_1101 : i32 to index
      %swap3A_1103 = arith.constant 16 : index
      %swap3A_1104 = tpu.vector_load %arg6[%swap3A_1102, %swap3A_1103] {strides = array<i32>} : memref<64x32xf32, #tpu.memory_space<vmem>>, vector<1x16xf32>,
      %swap3A_1105 = vector.shape_cast %swap3A_1104 : vector<1x16xf32> to vector<16xf32>
      %swap3A_1106 = vector.shape_cast %get3A_1100 : vector<16xf32> to vector<1x16xf32>
      tpu.vector_store %arg6[%swap3A_1102, %swap3A_1103], %swap3A_1106 {strides = array<i32>} : memref<64x32xf32, #tpu.memory_space<vmem>>, vector<1x16xf32>,
      %get3A_1107 = arith.constant 49 : i32
      %get3A_1108 = arith.index_cast %get3A_1107 : i32 to index
      %get3A_1109 = arith.constant 0 : index
      %get3A_1110 = tpu.vector_load %arg5[%get3A_1108, %get3A_1109] {strides = array<i32>} : memref<64x32xf32, #tpu.memory_space<vmem>>, vector<1x16xf32>,
      %get3A_1111 = vector.shape_cast %get3A_1110 : vector<1x16xf32> to vector<16xf32>
      %swap3A_1112 = arith.constant 49 : i32
      %swap3A_1113 = arith.index_cast %swap3A_1112 : i32 to index
      %swap3A_1114 = arith.constant 0 : index
      %swap3A_1115 = tpu.vector_load %arg6[%swap3A_1113, %swap3A_1114] {strides = array<i32>} : memref<64x32xf32, #tpu.memory_space<vmem>>, vector<1x16xf32>,
      %swap3A_1116 = vector.shape_cast %swap3A_1115 : vector<1x16xf32> to vector<16xf32>
      %swap3A_1117 = vector.shape_cast %get3A_1111 : vector<16xf32> to vector<1x16xf32>
      tpu.vector_store %arg6[%swap3A_1113, %swap3A_1114], %swap3A_1117 {strides = array<i32>} : memref<64x32xf32, #tpu.memory_space<vmem>>, vector<1x16xf32>,
      %get3A_1118 = arith.constant 49 : i32
      %get3A_1119 = arith.index_cast %get3A_1118 : i32 to index
      %get3A_1120 = arith.constant 16 : index
      %get3A_1121 = tpu.vector_load %arg5[%get3A_1119, %get3A_1120] {strides = array<i32>} : memref<64x32xf32, #tpu.memory_space<vmem>>, vector<1x16xf32>,
      %get3A_1122 = vector.shape_cast %get3A_1121 : vector<1x16xf32> to vector<16xf32>
      %swap3A_1123 = arith.constant 49 : i32
      %swap3A_1124 = arith.index_cast %swap3A_1123 : i32 to index
      %swap3A_1125 = arith.constant 16 : index
      %swap3A_1126 = tpu.vector_load %arg6[%swap3A_1124, %swap3A_1125] {strides = array<i32>} : memref<64x32xf32, #tpu.memory_space<vmem>>, vector<1x16xf32>,
      %swap3A_1127 = vector.shape_cast %swap3A_1126 : vector<1x16xf32> to vector<16xf32>
      %swap3A_1128 = vector.shape_cast %get3A_1122 : vector<16xf32> to vector<1x16xf32>
      tpu.vector_store %arg6[%swap3A_1124, %swap3A_1125], %swap3A_1128 {strides = array<i32>} : memref<64x32xf32, #tpu.memory_space<vmem>>, vector<1x16xf32>,
      %get3A_1129 = arith.constant 50 : i32
      %get3A_1130 = arith.index_cast %get3A_1129 : i32 to index
      %get3A_1131 = arith.constant 0 : index
      %get3A_1132 = tpu.vector_load %arg5[%get3A_1130, %get3A_1131] {strides = array<i32>} : memref<64x32xf32, #tpu.memory_space<vmem>>, vector<1x16xf32>,
      %get3A_1133 = vector.shape_cast %get3A_1132 : vector<1x16xf32> to vector<16xf32>
      %swap3A_1134 = arith.constant 50 : i32
      %swap3A_1135 = arith.index_cast %swap3A_1134 : i32 to index
      %swap3A_1136 = arith.constant 0 : index
      %swap3A_1137 = tpu.vector_load %arg6[%swap3A_1135, %swap3A_1136] {strides = array<i32>} : memref<64x32xf32, #tpu.memory_space<vmem>>, vector<1x16xf32>,
      %swap3A_1138 = vector.shape_cast %swap3A_1137 : vector<1x16xf32> to vector<16xf32>
      %swap3A_1139 = vector.shape_cast %get3A_1133 : vector<16xf32> to vector<1x16xf32>
      tpu.vector_store %arg6[%swap3A_1135, %swap3A_1136], %swap3A_1139 {strides = array<i32>} : memref<64x32xf32, #tpu.memory_space<vmem>>, vector<1x16xf32>,
      %get3A_1140 = arith.constant 50 : i32
      %get3A_1141 = arith.index_cast %get3A_1140 : i32 to index
      %get3A_1142 = arith.constant 16 : index
      %get3A_1143 = tpu.vector_load %arg5[%get3A_1141, %get3A_1142] {strides = array<i32>} : memref<64x32xf32, #tpu.memory_space<vmem>>, vector<1x16xf32>,
      %get3A_1144 = vector.shape_cast %get3A_1143 : vector<1x16xf32> to vector<16xf32>
      %swap3A_1145 = arith.constant 50 : i32
      %swap3A_1146 = arith.index_cast %swap3A_1145 : i32 to index
      %swap3A_1147 = arith.constant 16 : index
      %swap3A_1148 = tpu.vector_load %arg6[%swap3A_1146, %swap3A_1147] {strides = array<i32>} : memref<64x32xf32, #tpu.memory_space<vmem>>, vector<1x16xf32>,
      %swap3A_1149 = vector.shape_cast %swap3A_1148 : vector<1x16xf32> to vector<16xf32>
      %swap3A_1150 = vector.shape_cast %get3A_1144 : vector<16xf32> to vector<1x16xf32>
      tpu.vector_store %arg6[%swap3A_1146, %swap3A_1147], %swap3A_1150 {strides = array<i32>} : memref<64x32xf32, #tpu.memory_space<vmem>>, vector<1x16xf32>,
      %get3A_1151 = arith.constant 51 : i32
      %get3A_1152 = arith.index_cast %get3A_1151 : i32 to index
      %get3A_1153 = arith.constant 0 : index
      %get3A_1154 = tpu.vector_load %arg5[%get3A_1152, %get3A_1153] {strides = array<i32>} : memref<64x32xf32, #tpu.memory_space<vmem>>, vector<1x16xf32>,
      %get3A_1155 = vector.shape_cast %get3A_1154 : vector<1x16xf32> to vector<16xf32>
      %swap3A_1156 = arith.constant 51 : i32
      %swap3A_1157 = arith.index_cast %swap3A_1156 : i32 to index
      %swap3A_1158 = arith.constant 0 : index
      %swap3A_1159 = tpu.vector_load %arg6[%swap3A_1157, %swap3A_1158] {strides = array<i32>} : memref<64x32xf32, #tpu.memory_space<vmem>>, vector<1x16xf32>,
      %swap3A_1160 = vector.shape_cast %swap3A_1159 : vector<1x16xf32> to vector<16xf32>
      %swap3A_1161 = vector.shape_cast %get3A_1155 : vector<16xf32> to vector<1x16xf32>
      tpu.vector_store %arg6[%swap3A_1157, %swap3A_1158], %swap3A_1161 {strides = array<i32>} : memref<64x32xf32, #tpu.memory_space<vmem>>, vector<1x16xf32>,
      %get3A_1162 = arith.constant 51 : i32
      %get3A_1163 = arith.index_cast %get3A_1162 : i32 to index
      %get3A_1164 = arith.constant 16 : index
      %get3A_1165 = tpu.vector_load %arg5[%get3A_1163, %get3A_1164] {strides = array<i32>} : memref<64x32xf32, #tpu.memory_space<vmem>>, vector<1x16xf32>,
      %get3A_1166 = vector.shape_cast %get3A_1165 : vector<1x16xf32> to vector<16xf32>
      %swap3A_1167 = arith.constant 51 : i32
      %swap3A_1168 = arith.index_cast %swap3A_1167 : i32 to index
      %swap3A_1169 = arith.constant 16 : index
      %swap3A_1170 = tpu.vector_load %arg6[%swap3A_1168, %swap3A_1169] {strides = array<i32>} : memref<64x32xf32, #tpu.memory_space<vmem>>, vector<1x16xf32>,
      %swap3A_1171 = vector.shape_cast %swap3A_1170 : vector<1x16xf32> to vector<16xf32>
      %swap3A_1172 = vector.shape_cast %get3A_1166 : vector<16xf32> to vector<1x16xf32>
      tpu.vector_store %arg6[%swap3A_1168, %swap3A_1169], %swap3A_1172 {strides = array<i32>} : memref<64x32xf32, #tpu.memory_space<vmem>>, vector<1x16xf32>,
      %get3A_1173 = arith.constant 52 : i32
      %get3A_1174 = arith.index_cast %get3A_1173 : i32 to index
      %get3A_1175 = arith.constant 0 : index
      %get3A_1176 = tpu.vector_load %arg5[%get3A_1174, %get3A_1175] {strides = array<i32>} : memref<64x32xf32, #tpu.memory_space<vmem>>, vector<1x16xf32>,
      %get3A_1177 = vector.shape_cast %get3A_1176 : vector<1x16xf32> to vector<16xf32>
      %swap3A_1178 = arith.constant 52 : i32
      %swap3A_1179 = arith.index_cast %swap3A_1178 : i32 to index
      %swap3A_1180 = arith.constant 0 : index
      %swap3A_1181 = tpu.vector_load %arg6[%swap3A_1179, %swap3A_1180] {strides = array<i32>} : memref<64x32xf32, #tpu.memory_space<vmem>>, vector<1x16xf32>,
      %swap3A_1182 = vector.shape_cast %swap3A_1181 : vector<1x16xf32> to vector<16xf32>
      %swap3A_1183 = vector.shape_cast %get3A_1177 : vector<16xf32> to vector<1x16xf32>
      tpu.vector_store %arg6[%swap3A_1179, %swap3A_1180], %swap3A_1183 {strides = array<i32>} : memref<64x32xf32, #tpu.memory_space<vmem>>, vector<1x16xf32>,
      %get3A_1184 = arith.constant 52 : i32
      %get3A_1185 = arith.index_cast %get3A_1184 : i32 to index
      %get3A_1186 = arith.constant 16 : index
      %get3A_1187 = tpu.vector_load %arg5[%get3A_1185, %get3A_1186] {strides = array<i32>} : memref<64x32xf32, #tpu.memory_space<vmem>>, vector<1x16xf32>,
      %get3A_1188 = vector.shape_cast %get3A_1187 : vector<1x16xf32> to vector<16xf32>
      %swap3A_1189 = arith.constant 52 : i32
      %swap3A_1190 = arith.index_cast %swap3A_1189 : i32 to index
      %swap3A_1191 = arith.constant 16 : index
      %swap3A_1192 = tpu.vector_load %arg6[%swap3A_1190, %swap3A_1191] {strides = array<i32>} : memref<64x32xf32, #tpu.memory_space<vmem>>, vector<1x16xf32>,
      %swap3A_1193 = vector.shape_cast %swap3A_1192 : vector<1x16xf32> to vector<16xf32>
      %swap3A_1194 = vector.shape_cast %get3A_1188 : vector<16xf32> to vector<1x16xf32>
      tpu.vector_store %arg6[%swap3A_1190, %swap3A_1191], %swap3A_1194 {strides = array<i32>} : memref<64x32xf32, #tpu.memory_space<vmem>>, vector<1x16xf32>,
      %get3A_1195 = arith.constant 53 : i32
      %get3A_1196 = arith.index_cast %get3A_1195 : i32 to index
      %get3A_1197 = arith.constant 0 : index
      %get3A_1198 = tpu.vector_load %arg5[%get3A_1196, %get3A_1197] {strides = array<i32>} : memref<64x32xf32, #tpu.memory_space<vmem>>, vector<1x16xf32>,
      %get3A_1199 = vector.shape_cast %get3A_1198 : vector<1x16xf32> to vector<16xf32>
      %swap3A_1200 = arith.constant 53 : i32
      %swap3A_1201 = arith.index_cast %swap3A_1200 : i32 to index
      %swap3A_1202 = arith.constant 0 : index
      %swap3A_1203 = tpu.vector_load %arg6[%swap3A_1201, %swap3A_1202] {strides = array<i32>} : memref<64x32xf32, #tpu.memory_space<vmem>>, vector<1x16xf32>,
      %swap3A_1204 = vector.shape_cast %swap3A_1203 : vector<1x16xf32> to vector<16xf32>
      %swap3A_1205 = vector.shape_cast %get3A_1199 : vector<16xf32> to vector<1x16xf32>
      tpu.vector_store %arg6[%swap3A_1201, %swap3A_1202], %swap3A_1205 {strides = array<i32>} : memref<64x32xf32, #tpu.memory_space<vmem>>, vector<1x16xf32>,
      %get3A_1206 = arith.constant 53 : i32
      %get3A_1207 = arith.index_cast %get3A_1206 : i32 to index
      %get3A_1208 = arith.constant 16 : index
      %get3A_1209 = tpu.vector_load %arg5[%get3A_1207, %get3A_1208] {strides = array<i32>} : memref<64x32xf32, #tpu.memory_space<vmem>>, vector<1x16xf32>,
      %get3A_1210 = vector.shape_cast %get3A_1209 : vector<1x16xf32> to vector<16xf32>
      %swap3A_1211 = arith.constant 53 : i32
      %swap3A_1212 = arith.index_cast %swap3A_1211 : i32 to index
      %swap3A_1213 = arith.constant 16 : index
      %swap3A_1214 = tpu.vector_load %arg6[%swap3A_1212, %swap3A_1213] {strides = array<i32>} : memref<64x32xf32, #tpu.memory_space<vmem>>, vector<1x16xf32>,
      %swap3A_1215 = vector.shape_cast %swap3A_1214 : vector<1x16xf32> to vector<16xf32>
      %swap3A_1216 = vector.shape_cast %get3A_1210 : vector<16xf32> to vector<1x16xf32>
      tpu.vector_store %arg6[%swap3A_1212, %swap3A_1213], %swap3A_1216 {strides = array<i32>} : memref<64x32xf32, #tpu.memory_space<vmem>>, vector<1x16xf32>,
      %get3A_1217 = arith.constant 54 : i32
      %get3A_1218 = arith.index_cast %get3A_1217 : i32 to index
      %get3A_1219 = arith.constant 0 : index
      %get3A_1220 = tpu.vector_load %arg5[%get3A_1218, %get3A_1219] {strides = array<i32>} : memref<64x32xf32, #tpu.memory_space<vmem>>, vector<1x16xf32>,
      %get3A_1221 = vector.shape_cast %get3A_1220 : vector<1x16xf32> to vector<16xf32>
      %swap3A_1222 = arith.constant 54 : i32
      %swap3A_1223 = arith.index_cast %swap3A_1222 : i32 to index
      %swap3A_1224 = arith.constant 0 : index
      %swap3A_1225 = tpu.vector_load %arg6[%swap3A_1223, %swap3A_1224] {strides = array<i32>} : memref<64x32xf32, #tpu.memory_space<vmem>>, vector<1x16xf32>,
      %swap3A_1226 = vector.shape_cast %swap3A_1225 : vector<1x16xf32> to vector<16xf32>
      %swap3A_1227 = vector.shape_cast %get3A_1221 : vector<16xf32> to vector<1x16xf32>
      tpu.vector_store %arg6[%swap3A_1223, %swap3A_1224], %swap3A_1227 {strides = array<i32>} : memref<64x32xf32, #tpu.memory_space<vmem>>, vector<1x16xf32>,
      %get3A_1228 = arith.constant 54 : i32
      %get3A_1229 = arith.index_cast %get3A_1228 : i32 to index
      %get3A_1230 = arith.constant 16 : index
      %get3A_1231 = tpu.vector_load %arg5[%get3A_1229, %get3A_1230] {strides = array<i32>} : memref<64x32xf32, #tpu.memory_space<vmem>>, vector<1x16xf32>,
      %get3A_1232 = vector.shape_cast %get3A_1231 : vector<1x16xf32> to vector<16xf32>
      %swap3A_1233 = arith.constant 54 : i32
      %swap3A_1234 = arith.index_cast %swap3A_1233 : i32 to index
      %swap3A_1235 = arith.constant 16 : index
      %swap3A_1236 = tpu.vector_load %arg6[%swap3A_1234, %swap3A_1235] {strides = array<i32>} : memref<64x32xf32, #tpu.memory_space<vmem>>, vector<1x16xf32>,
      %swap3A_1237 = vector.shape_cast %swap3A_1236 : vector<1x16xf32> to vector<16xf32>
      %swap3A_1238 = vector.shape_cast %get3A_1232 : vector<16xf32> to vector<1x16xf32>
      tpu.vector_store %arg6[%swap3A_1234, %swap3A_1235], %swap3A_1238 {strides = array<i32>} : memref<64x32xf32, #tpu.memory_space<vmem>>, vector<1x16xf32>,
      %get3A_1239 = arith.constant 55 : i32
      %get3A_1240 = arith.index_cast %get3A_1239 : i32 to index
      %get3A_1241 = arith.constant 0 : index
      %get3A_1242 = tpu.vector_load %arg5[%get3A_1240, %get3A_1241] {strides = array<i32>} : memref<64x32xf32, #tpu.memory_space<vmem>>, vector<1x16xf32>,
      %get3A_1243 = vector.shape_cast %get3A_1242 : vector<1x16xf32> to vector<16xf32>
      %swap3A_1244 = arith.constant 55 : i32
      %swap3A_1245 = arith.index_cast %swap3A_1244 : i32 to index
      %swap3A_1246 = arith.constant 0 : index
      %swap3A_1247 = tpu.vector_load %arg6[%swap3A_1245, %swap3A_1246] {strides = array<i32>} : memref<64x32xf32, #tpu.memory_space<vmem>>, vector<1x16xf32>,
      %swap3A_1248 = vector.shape_cast %swap3A_1247 : vector<1x16xf32> to vector<16xf32>
      %swap3A_1249 = vector.shape_cast %get3A_1243 : vector<16xf32> to vector<1x16xf32>
      tpu.vector_store %arg6[%swap3A_1245, %swap3A_1246], %swap3A_1249 {strides = array<i32>} : memref<64x32xf32, #tpu.memory_space<vmem>>, vector<1x16xf32>,
      %get3A_1250 = arith.constant 55 : i32
      %get3A_1251 = arith.index_cast %get3A_1250 : i32 to index
      %get3A_1252 = arith.constant 16 : index
      %get3A_1253 = tpu.vector_load %arg5[%get3A_1251, %get3A_1252] {strides = array<i32>} : memref<64x32xf32, #tpu.memory_space<vmem>>, vector<1x16xf32>,
      %get3A_1254 = vector.shape_cast %get3A_1253 : vector<1x16xf32> to vector<16xf32>
      %swap3A_1255 = arith.constant 55 : i32
      %swap3A_1256 = arith.index_cast %swap3A_1255 : i32 to index
      %swap3A_1257 = arith.constant 16 : index
      %swap3A_1258 = tpu.vector_load %arg6[%swap3A_1256, %swap3A_1257] {strides = array<i32>} : memref<64x32xf32, #tpu.memory_space<vmem>>, vector<1x16xf32>,
      %swap3A_1259 = vector.shape_cast %swap3A_1258 : vector<1x16xf32> to vector<16xf32>
      %swap3A_1260 = vector.shape_cast %get3A_1254 : vector<16xf32> to vector<1x16xf32>
      tpu.vector_store %arg6[%swap3A_1256, %swap3A_1257], %swap3A_1260 {strides = array<i32>} : memref<64x32xf32, #tpu.memory_space<vmem>>, vector<1x16xf32>,
      %get3A_1261 = arith.constant 56 : i32
      %get3A_1262 = arith.index_cast %get3A_1261 : i32 to index
      %get3A_1263 = arith.constant 0 : index
      %get3A_1264 = tpu.vector_load %arg5[%get3A_1262, %get3A_1263] {strides = array<i32>} : memref<64x32xf32, #tpu.memory_space<vmem>>, vector<1x16xf32>,
      %get3A_1265 = vector.shape_cast %get3A_1264 : vector<1x16xf32> to vector<16xf32>
      %swap3A_1266 = arith.constant 56 : i32
      %swap3A_1267 = arith.index_cast %swap3A_1266 : i32 to index
      %swap3A_1268 = arith.constant 0 : index
      %swap3A_1269 = tpu.vector_load %arg6[%swap3A_1267, %swap3A_1268] {strides = array<i32>} : memref<64x32xf32, #tpu.memory_space<vmem>>, vector<1x16xf32>,
      %swap3A_1270 = vector.shape_cast %swap3A_1269 : vector<1x16xf32> to vector<16xf32>
      %swap3A_1271 = vector.shape_cast %get3A_1265 : vector<16xf32> to vector<1x16xf32>
      tpu.vector_store %arg6[%swap3A_1267, %swap3A_1268], %swap3A_1271 {strides = array<i32>} : memref<64x32xf32, #tpu.memory_space<vmem>>, vector<1x16xf32>,
      %get3A_1272 = arith.constant 56 : i32
      %get3A_1273 = arith.index_cast %get3A_1272 : i32 to index
      %get3A_1274 = arith.constant 16 : index
      %get3A_1275 = tpu.vector_load %arg5[%get3A_1273, %get3A_1274] {strides = array<i32>} : memref<64x32xf32, #tpu.memory_space<vmem>>, vector<1x16xf32>,
      %get3A_1276 = vector.shape_cast %get3A_1275 : vector<1x16xf32> to vector<16xf32>
      %swap3A_1277 = arith.constant 56 : i32
      %swap3A_1278 = arith.index_cast %swap3A_1277 : i32 to index
      %swap3A_1279 = arith.constant 16 : index
      %swap3A_1280 = tpu.vector_load %arg6[%swap3A_1278, %swap3A_1279] {strides = array<i32>} : memref<64x32xf32, #tpu.memory_space<vmem>>, vector<1x16xf32>,
      %swap3A_1281 = vector.shape_cast %swap3A_1280 : vector<1x16xf32> to vector<16xf32>
      %swap3A_1282 = vector.shape_cast %get3A_1276 : vector<16xf32> to vector<1x16xf32>
      tpu.vector_store %arg6[%swap3A_1278, %swap3A_1279], %swap3A_1282 {strides = array<i32>} : memref<64x32xf32, #tpu.memory_space<vmem>>, vector<1x16xf32>,
      %get3A_1283 = arith.constant 57 : i32
      %get3A_1284 = arith.index_cast %get3A_1283 : i32 to index
      %get3A_1285 = arith.constant 0 : index
      %get3A_1286 = tpu.vector_load %arg5[%get3A_1284, %get3A_1285] {strides = array<i32>} : memref<64x32xf32, #tpu.memory_space<vmem>>, vector<1x16xf32>,
      %get3A_1287 = vector.shape_cast %get3A_1286 : vector<1x16xf32> to vector<16xf32>
      %swap3A_1288 = arith.constant 57 : i32
      %swap3A_1289 = arith.index_cast %swap3A_1288 : i32 to index
      %swap3A_1290 = arith.constant 0 : index
      %swap3A_1291 = tpu.vector_load %arg6[%swap3A_1289, %swap3A_1290] {strides = array<i32>} : memref<64x32xf32, #tpu.memory_space<vmem>>, vector<1x16xf32>,
      %swap3A_1292 = vector.shape_cast %swap3A_1291 : vector<1x16xf32> to vector<16xf32>
      %swap3A_1293 = vector.shape_cast %get3A_1287 : vector<16xf32> to vector<1x16xf32>
      tpu.vector_store %arg6[%swap3A_1289, %swap3A_1290], %swap3A_1293 {strides = array<i32>} : memref<64x32xf32, #tpu.memory_space<vmem>>, vector<1x16xf32>,
      %get3A_1294 = arith.constant 57 : i32
      %get3A_1295 = arith.index_cast %get3A_1294 : i32 to index
      %get3A_1296 = arith.constant 16 : index
      %get3A_1297 = tpu.vector_load %arg5[%get3A_1295, %get3A_1296] {strides = array<i32>} : memref<64x32xf32, #tpu.memory_space<vmem>>, vector<1x16xf32>,
      %get3A_1298 = vector.shape_cast %get3A_1297 : vector<1x16xf32> to vector<16xf32>
      %swap3A_1299 = arith.constant 57 : i32
      %swap3A_1300 = arith.index_cast %swap3A_1299 : i32 to index
      %swap3A_1301 = arith.constant 16 : index
      %swap3A_1302 = tpu.vector_load %arg6[%swap3A_1300, %swap3A_1301] {strides = array<i32>} : memref<64x32xf32, #tpu.memory_space<vmem>>, vector<1x16xf32>,
      %swap3A_1303 = vector.shape_cast %swap3A_1302 : vector<1x16xf32> to vector<16xf32>
      %swap3A_1304 = vector.shape_cast %get3A_1298 : vector<16xf32> to vector<1x16xf32>
      tpu.vector_store %arg6[%swap3A_1300, %swap3A_1301], %swap3A_1304 {strides = array<i32>} : memref<64x32xf32, #tpu.memory_space<vmem>>, vector<1x16xf32>,
      %get3A_1305 = arith.constant 58 : i32
      %get3A_1306 = arith.index_cast %get3A_1305 : i32 to index
      %get3A_1307 = arith.constant 0 : index
      %get3A_1308 = tpu.vector_load %arg5[%get3A_1306, %get3A_1307] {strides = array<i32>} : memref<64x32xf32, #tpu.memory_space<vmem>>, vector<1x16xf32>,
      %get3A_1309 = vector.shape_cast %get3A_1308 : vector<1x16xf32> to vector<16xf32>
      %swap3A_1310 = arith.constant 58 : i32
      %swap3A_1311 = arith.index_cast %swap3A_1310 : i32 to index
      %swap3A_1312 = arith.constant 0 : index
      %swap3A_1313 = tpu.vector_load %arg6[%swap3A_1311, %swap3A_1312] {strides = array<i32>} : memref<64x32xf32, #tpu.memory_space<vmem>>, vector<1x16xf32>,
      %swap3A_1314 = vector.shape_cast %swap3A_1313 : vector<1x16xf32> to vector<16xf32>
      %swap3A_1315 = vector.shape_cast %get3A_1309 : vector<16xf32> to vector<1x16xf32>
      tpu.vector_store %arg6[%swap3A_1311, %swap3A_1312], %swap3A_1315 {strides = array<i32>} : memref<64x32xf32, #tpu.memory_space<vmem>>, vector<1x16xf32>,
      %get3A_1316 = arith.constant 58 : i32
      %get3A_1317 = arith.index_cast %get3A_1316 : i32 to index
      %get3A_1318 = arith.constant 16 : index
      %get3A_1319 = tpu.vector_load %arg5[%get3A_1317, %get3A_1318] {strides = array<i32>} : memref<64x32xf32, #tpu.memory_space<vmem>>, vector<1x16xf32>,
      %get3A_1320 = vector.shape_cast %get3A_1319 : vector<1x16xf32> to vector<16xf32>
      %swap3A_1321 = arith.constant 58 : i32
      %swap3A_1322 = arith.index_cast %swap3A_1321 : i32 to index
      %swap3A_1323 = arith.constant 16 : index
      %swap3A_1324 = tpu.vector_load %arg6[%swap3A_1322, %swap3A_1323] {strides = array<i32>} : memref<64x32xf32, #tpu.memory_space<vmem>>, vector<1x16xf32>,
      %swap3A_1325 = vector.shape_cast %swap3A_1324 : vector<1x16xf32> to vector<16xf32>
      %swap3A_1326 = vector.shape_cast %get3A_1320 : vector<16xf32> to vector<1x16xf32>
      tpu.vector_store %arg6[%swap3A_1322, %swap3A_1323], %swap3A_1326 {strides = array<i32>} : memref<64x32xf32, #tpu.memory_space<vmem>>, vector<1x16xf32>,
      %get3A_1327 = arith.constant 59 : i32
      %get3A_1328 = arith.index_cast %get3A_1327 : i32 to index
      %get3A_1329 = arith.constant 0 : index
      %get3A_1330 = tpu.vector_load %arg5[%get3A_1328, %get3A_1329] {strides = array<i32>} : memref<64x32xf32, #tpu.memory_space<vmem>>, vector<1x16xf32>,
      %get3A_1331 = vector.shape_cast %get3A_1330 : vector<1x16xf32> to vector<16xf32>
      %swap3A_1332 = arith.constant 59 : i32
      %swap3A_1333 = arith.index_cast %swap3A_1332 : i32 to index
      %swap3A_1334 = arith.constant 0 : index
      %swap3A_1335 = tpu.vector_load %arg6[%swap3A_1333, %swap3A_1334] {strides = array<i32>} : memref<64x32xf32, #tpu.memory_space<vmem>>, vector<1x16xf32>,
      %swap3A_1336 = vector.shape_cast %swap3A_1335 : vector<1x16xf32> to vector<16xf32>
      %swap3A_1337 = vector.shape_cast %get3A_1331 : vector<16xf32> to vector<1x16xf32>
      tpu.vector_store %arg6[%swap3A_1333, %swap3A_1334], %swap3A_1337 {strides = array<i32>} : memref<64x32xf32, #tpu.memory_space<vmem>>, vector<1x16xf32>,
      %get3A_1338 = arith.constant 59 : i32
      %get3A_1339 = arith.index_cast %get3A_1338 : i32 to index
      %get3A_1340 = arith.constant 16 : index
      %get3A_1341 = tpu.vector_load %arg5[%get3A_1339, %get3A_1340] {strides = array<i32>} : memref<64x32xf32, #tpu.memory_space<vmem>>, vector<1x16xf32>,
      %get3A_1342 = vector.shape_cast %get3A_1341 : vector<1x16xf32> to vector<16xf32>
      %swap3A_1343 = arith.constant 59 : i32
      %swap3A_1344 = arith.index_cast %swap3A_1343 : i32 to index
      %swap3A_1345 = arith.constant 16 : index
      %swap3A_1346 = tpu.vector_load %arg6[%swap3A_1344, %swap3A_1345] {strides = array<i32>} : memref<64x32xf32, #tpu.memory_space<vmem>>, vector<1x16xf32>,
      %swap3A_1347 = vector.shape_cast %swap3A_1346 : vector<1x16xf32> to vector<16xf32>
      %swap3A_1348 = vector.shape_cast %get3A_1342 : vector<16xf32> to vector<1x16xf32>
      tpu.vector_store %arg6[%swap3A_1344, %swap3A_1345], %swap3A_1348 {strides = array<i32>} : memref<64x32xf32, #tpu.memory_space<vmem>>, vector<1x16xf32>,
      %get3A_1349 = arith.constant 60 : i32
      %get3A_1350 = arith.index_cast %get3A_1349 : i32 to index
      %get3A_1351 = arith.constant 0 : index
      %get3A_1352 = tpu.vector_load %arg5[%get3A_1350, %get3A_1351] {strides = array<i32>} : memref<64x32xf32, #tpu.memory_space<vmem>>, vector<1x16xf32>,
      %get3A_1353 = vector.shape_cast %get3A_1352 : vector<1x16xf32> to vector<16xf32>
      %swap3A_1354 = arith.constant 60 : i32
      %swap3A_1355 = arith.index_cast %swap3A_1354 : i32 to index
      %swap3A_1356 = arith.constant 0 : index
      %swap3A_1357 = tpu.vector_load %arg6[%swap3A_1355, %swap3A_1356] {strides = array<i32>} : memref<64x32xf32, #tpu.memory_space<vmem>>, vector<1x16xf32>,
      %swap3A_1358 = vector.shape_cast %swap3A_1357 : vector<1x16xf32> to vector<16xf32>
      %swap3A_1359 = vector.shape_cast %get3A_1353 : vector<16xf32> to vector<1x16xf32>
      tpu.vector_store %arg6[%swap3A_1355, %swap3A_1356], %swap3A_1359 {strides = array<i32>} : memref<64x32xf32, #tpu.memory_space<vmem>>, vector<1x16xf32>,
      %get3A_1360 = arith.constant 60 : i32
      %get3A_1361 = arith.index_cast %get3A_1360 : i32 to index
      %get3A_1362 = arith.constant 16 : index
      %get3A_1363 = tpu.vector_load %arg5[%get3A_1361, %get3A_1362] {strides = array<i32>} : memref<64x32xf32, #tpu.memory_space<vmem>>, vector<1x16xf32>,
      %get3A_1364 = vector.shape_cast %get3A_1363 : vector<1x16xf32> to vector<16xf32>
      %swap3A_1365 = arith.constant 60 : i32
      %swap3A_1366 = arith.index_cast %swap3A_1365 : i32 to index
      %swap3A_1367 = arith.constant 16 : index
      %swap3A_1368 = tpu.vector_load %arg6[%swap3A_1366, %swap3A_1367] {strides = array<i32>} : memref<64x32xf32, #tpu.memory_space<vmem>>, vector<1x16xf32>,
      %swap3A_1369 = vector.shape_cast %swap3A_1368 : vector<1x16xf32> to vector<16xf32>
      %swap3A_1370 = vector.shape_cast %get3A_1364 : vector<16xf32> to vector<1x16xf32>
      tpu.vector_store %arg6[%swap3A_1366, %swap3A_1367], %swap3A_1370 {strides = array<i32>} : memref<64x32xf32, #tpu.memory_space<vmem>>, vector<1x16xf32>,
      %get3A_1371 = arith.constant 61 : i32
      %get3A_1372 = arith.index_cast %get3A_1371 : i32 to index
      %get3A_1373 = arith.constant 0 : index
      %get3A_1374 = tpu.vector_load %arg5[%get3A_1372, %get3A_1373] {strides = array<i32>} : memref<64x32xf32, #tpu.memory_space<vmem>>, vector<1x16xf32>,
      %get3A_1375 = vector.shape_cast %get3A_1374 : vector<1x16xf32> to vector<16xf32>
      %swap3A_1376 = arith.constant 61 : i32
      %swap3A_1377 = arith.index_cast %swap3A_1376 : i32 to index
      %swap3A_1378 = arith.constant 0 : index
      %swap3A_1379 = tpu.vector_load %arg6[%swap3A_1377, %swap3A_1378] {strides = array<i32>} : memref<64x32xf32, #tpu.memory_space<vmem>>, vector<1x16xf32>,
      %swap3A_1380 = vector.shape_cast %swap3A_1379 : vector<1x16xf32> to vector<16xf32>
      %swap3A_1381 = vector.shape_cast %get3A_1375 : vector<16xf32> to vector<1x16xf32>
      tpu.vector_store %arg6[%swap3A_1377, %swap3A_1378], %swap3A_1381 {strides = array<i32>} : memref<64x32xf32, #tpu.memory_space<vmem>>, vector<1x16xf32>,
      %get3A_1382 = arith.constant 61 : i32
      %get3A_1383 = arith.index_cast %get3A_1382 : i32 to index
      %get3A_1384 = arith.constant 16 : index
      %get3A_1385 = tpu.vector_load %arg5[%get3A_1383, %get3A_1384] {strides = array<i32>} : memref<64x32xf32, #tpu.memory_space<vmem>>, vector<1x16xf32>,
      %get3A_1386 = vector.shape_cast %get3A_1385 : vector<1x16xf32> to vector<16xf32>
      %swap3A_1387 = arith.constant 61 : i32
      %swap3A_1388 = arith.index_cast %swap3A_1387 : i32 to index
      %swap3A_1389 = arith.constant 16 : index
      %swap3A_1390 = tpu.vector_load %arg6[%swap3A_1388, %swap3A_1389] {strides = array<i32>} : memref<64x32xf32, #tpu.memory_space<vmem>>, vector<1x16xf32>,
      %swap3A_1391 = vector.shape_cast %swap3A_1390 : vector<1x16xf32> to vector<16xf32>
      %swap3A_1392 = vector.shape_cast %get3A_1386 : vector<16xf32> to vector<1x16xf32>
      tpu.vector_store %arg6[%swap3A_1388, %swap3A_1389], %swap3A_1392 {strides = array<i32>} : memref<64x32xf32, #tpu.memory_space<vmem>>, vector<1x16xf32>,
      %get3A_1393 = arith.constant 62 : i32
      %get3A_1394 = arith.index_cast %get3A_1393 : i32 to index
      %get3A_1395 = arith.constant 0 : index
      %get3A_1396 = tpu.vector_load %arg5[%get3A_1394, %get3A_1395] {strides = array<i32>} : memref<64x32xf32, #tpu.memory_space<vmem>>, vector<1x16xf32>,
      %get3A_1397 = vector.shape_cast %get3A_1396 : vector<1x16xf32> to vector<16xf32>
      %swap3A_1398 = arith.constant 62 : i32
      %swap3A_1399 = arith.index_cast %swap3A_1398 : i32 to index
      %swap3A_1400 = arith.constant 0 : index
      %swap3A_1401 = tpu.vector_load %arg6[%swap3A_1399, %swap3A_1400] {strides = array<i32>} : memref<64x32xf32, #tpu.memory_space<vmem>>, vector<1x16xf32>,
      %swap3A_1402 = vector.shape_cast %swap3A_1401 : vector<1x16xf32> to vector<16xf32>
      %swap3A_1403 = vector.shape_cast %get3A_1397 : vector<16xf32> to vector<1x16xf32>
      tpu.vector_store %arg6[%swap3A_1399, %swap3A_1400], %swap3A_1403 {strides = array<i32>} : memref<64x32xf32, #tpu.memory_space<vmem>>, vector<1x16xf32>,
      %get3A_1404 = arith.constant 62 : i32
      %get3A_1405 = arith.index_cast %get3A_1404 : i32 to index
      %get3A_1406 = arith.constant 16 : index
      %get3A_1407 = tpu.vector_load %arg5[%get3A_1405, %get3A_1406] {strides = array<i32>} : memref<64x32xf32, #tpu.memory_space<vmem>>, vector<1x16xf32>,
      %get3A_1408 = vector.shape_cast %get3A_1407 : vector<1x16xf32> to vector<16xf32>
      %swap3A_1409 = arith.constant 62 : i32
      %swap3A_1410 = arith.index_cast %swap3A_1409 : i32 to index
      %swap3A_1411 = arith.constant 16 : index
      %swap3A_1412 = tpu.vector_load %arg6[%swap3A_1410, %swap3A_1411] {strides = array<i32>} : memref<64x32xf32, #tpu.memory_space<vmem>>, vector<1x16xf32>,
      %swap3A_1413 = vector.shape_cast %swap3A_1412 : vector<1x16xf32> to vector<16xf32>
      %swap3A_1414 = vector.shape_cast %get3A_1408 : vector<16xf32> to vector<1x16xf32>
      tpu.vector_store %arg6[%swap3A_1410, %swap3A_1411], %swap3A_1414 {strides = array<i32>} : memref<64x32xf32, #tpu.memory_space<vmem>>, vector<1x16xf32>,
      %get3A_1415 = arith.constant 63 : i32
      %get3A_1416 = arith.index_cast %get3A_1415 : i32 to index
      %get3A_1417 = arith.constant 0 : index
      %get3A_1418 = tpu.vector_load %arg5[%get3A_1416, %get3A_1417] {strides = array<i32>} : memref<64x32xf32, #tpu.memory_space<vmem>>, vector<1x16xf32>,
      %get3A_1419 = vector.shape_cast %get3A_1418 : vector<1x16xf32> to vector<16xf32>
      %swap3A_1420 = arith.constant 63 : i32
      %swap3A_1421 = arith.index_cast %swap3A_1420 : i32 to index
      %swap3A_1422 = arith.constant 0 : index
      %swap3A_1423 = tpu.vector_load %arg6[%swap3A_1421, %swap3A_1422] {strides = array<i32>} : memref<64x32xf32, #tpu.memory_space<vmem>>, vector<1x16xf32>,
      %swap3A_1424 = vector.shape_cast %swap3A_1423 : vector<1x16xf32> to vector<16xf32>
      %swap3A_1425 = vector.shape_cast %get3A_1419 : vector<16xf32> to vector<1x16xf32>
      tpu.vector_store %arg6[%swap3A_1421, %swap3A_1422], %swap3A_1425 {strides = array<i32>} : memref<64x32xf32, #tpu.memory_space<vmem>>, vector<1x16xf32>,
      %get3A_1426 = arith.constant 63 : i32
      %get3A_1427 = arith.index_cast %get3A_1426 : i32 to index
      %get3A_1428 = arith.constant 16 : index
      %get3A_1429 = tpu.vector_load %arg5[%get3A_1427, %get3A_1428] {strides = array<i32>} : memref<64x32xf32, #tpu.memory_space<vmem>>, vector<1x16xf32>,
      %get3A_1430 = vector.shape_cast %get3A_1429 : vector<1x16xf32> to vector<16xf32>
      %swap3A_1431 = arith.constant 63 : i32
      %swap3A_1432 = arith.index_cast %swap3A_1431 : i32 to index
      %swap3A_1433 = arith.constant 16 : index
      %swap3A_1434 = tpu.vector_load %arg6[%swap3A_1432, %swap3A_1433] {strides = array<i32>} : memref<64x32xf32, #tpu.memory_space<vmem>>, vector<1x16xf32>,
      %swap3A_1435 = vector.shape_cast %swap3A_1434 : vector<1x16xf32> to vector<16xf32>
      %swap3A_1436 = vector.shape_cast %get3A_1430 : vector<16xf32> to vector<1x16xf32>
      tpu.vector_store %arg6[%swap3A_1432, %swap3A_1433], %swap3A_1436 {strides = array<i32>} : memref<64x32xf32, #tpu.memory_space<vmem>>, vector<1x16xf32>,
      "tpu.region"() ({
        %run_scoped3A = tpu.sem_alloc : memref<!tpu.dma_semaphore, #tpu.memory_space<semaphore_mem>>
        tpu.enqueue_dma source(%arg7 : memref<64xi32, #tpu.memory_space<vmem>>) target(%arg3 : memref<64xi32, #tpu.memory_space<hbm>>) target_semaphore(%run_scoped3A : memref<!tpu.dma_semaphore, #tpu.memory_space<semaphore_mem>>)
        tpu.wait_dma2 semaphore(%run_scoped3A : memref<!tpu.dma_semaphore, #tpu.memory_space<semaphore_mem>>) src(%arg7 : memref<64xi32, #tpu.memory_space<vmem>>) dst(%arg3 : memref<64xi32, #tpu.memory_space<hbm>>)
        tpu.yield
      }) : () -> ()
      "tpu.region"() ({
        %run_scoped3A = tpu.sem_alloc : memref<!tpu.dma_semaphore, #tpu.memory_space<semaphore_mem>>
        tpu.enqueue_dma source(%arg6 : memref<64x32xf32, #tpu.memory_space<vmem>>) target(%arg4 : memref<64x32xf32, #tpu.memory_space<hbm>>) target_semaphore(%run_scoped3A : memref<!tpu.dma_semaphore, #tpu.memory_space<semaphore_mem>>)
        tpu.wait_dma2 semaphore(%run_scoped3A : memref<!tpu.dma_semaphore, #tpu.memory_space<semaphore_mem>>) src(%arg6 : memref<64x32xf32, #tpu.memory_space<vmem>>) dst(%arg4 : memref<64x32xf32, #tpu.memory_space<hbm>>)
        tpu.yield
      }) : () -> ()
    } else {
    }
    return
  }
}

module attributes {stable_mosaic.version = 14 : i64} {
  func.func @_compact_kernel(%arg0: memref<64x1xi32, #tpu.memory_space<vmem>>, %arg1: memref<64x1xi32, #tpu.memory_space<vmem>>, %arg2: memref<64x1xi32, #tpu.memory_space<vmem>>) attributes {dimension_semantics = [], scalar_prefetch = 0 : i64, scratch_operands = 0 : i64, tpu.core_type = #tpu.core_type<tc>} {
    %get3A = arith.constant 0 : index
    %get3A_0 = arith.constant 0 : index
    %get3A_1 = vector.load %arg0[%get3A, %get3A_0] : memref<64x1xi32, #tpu.memory_space<vmem>>, vector<64x1xi32>
    %convert_element_type3A = arith.sitofp %get3A_1 : vector<64x1xi32> to vector<64x1xf32>
    %iota3A = tpu.iota {dimensions = array<i32: 0>} : vector<64x64xi32>
    %convert_element_type3A_2 = arith.sitofp %iota3A : vector<64x64xi32> to vector<64x64xf32>
    %iota3A_3 = tpu.iota {dimensions = array<i32: 1>} : vector<64x64xi32>
    %convert_element_type3A_4 = arith.sitofp %iota3A_3 : vector<64x64xi32> to vector<64x64xf32>
    %slice3A = vector.extract_strided_slice %convert_element_type3A_2 {offsets = [0, 0], sizes = [64, 1], strides = [1, 1]} : vector<64x64xf32> to vector<64x1xf32>
    %mul3A = arith.constant 6.400000e+01 : f32
    %mul3A_5 = vector.broadcast %mul3A : f32 to vector<64x1xf32>
    %mul3A_6 = arith.mulf %convert_element_type3A, %mul3A_5 : vector<64x1xf32>
    %add3A = arith.addf %mul3A_6, %slice3A : vector<64x1xf32>
    %broadcast_in_dim3A = vector.shape_cast %add3A : vector<64x1xf32> to vector<64x1xf32>
    %broadcast_in_dim3A_7 = vector.broadcast %broadcast_in_dim3A : vector<64x1xf32> to vector<64x64xf32>
    %transpose3A = tpu.transpose %broadcast_in_dim3A_7, [1, 0] : vector<64x64xf32> -> vector<64x64xf32>
    %lt3A = arith.cmpf olt, %transpose3A, %broadcast_in_dim3A_7 : vector<64x64xf32>
    %convert_element_type3A_8 = arith.extui %lt3A : vector<64x64xi1> to vector<64x64xi32>
    %convert_element_type3A_9 = arith.sitofp %convert_element_type3A_8 : vector<64x64xi32> to vector<64x64xf32>
    %reduce_sum3A = arith.constant dense<0.000000e+00> : vector<64xf32>
    %reduce_sum3A_10 = vector.multi_reduction <add>, %convert_element_type3A_9, %reduce_sum3A [1] : vector<64x64xf32> to vector<64xf32>
    %broadcast_in_dim3A_11 = vector.shape_cast %reduce_sum3A_10 : vector<64xf32> to vector<64x1xf32>
    %broadcast_in_dim3A_12 = vector.shape_cast %broadcast_in_dim3A_11 : vector<64x1xf32> to vector<64x1xf32>
    %broadcast_in_dim3A_13 = vector.broadcast %broadcast_in_dim3A_12 : vector<64x1xf32> to vector<64x64xf32>
    %transpose3A_14 = tpu.transpose %broadcast_in_dim3A_13, [1, 0] : vector<64x64xf32> -> vector<64x64xf32>
    %eq3A = arith.cmpf oeq, %transpose3A_14, %convert_element_type3A_2 : vector<64x64xf32>
    %convert_element_type3A_15 = arith.extui %eq3A : vector<64x64xi1> to vector<64x64xi32>
    %convert_element_type3A_16 = arith.sitofp %convert_element_type3A_15 : vector<64x64xi32> to vector<64x64xf32>
    %sub3A = arith.constant 1.000000e+00 : f32
    %sub3A_17 = vector.broadcast %sub3A : f32 to vector<64x64xf32>
    %sub3A_18 = arith.subf %convert_element_type3A_2, %sub3A_17 : vector<64x64xf32>
    %eq3A_19 = arith.cmpf oeq, %transpose3A_14, %sub3A_18 : vector<64x64xf32>
    %convert_element_type3A_20 = arith.extui %eq3A_19 : vector<64x64xi1> to vector<64x64xi32>
    %convert_element_type3A_21 = arith.sitofp %convert_element_type3A_20 : vector<64x64xi32> to vector<64x64xf32>
    %dot_general3A = arith.constant dense<0.000000e+00> : vector<64x1xf32>
    %dot_general3A_22 = tpu.matmul %convert_element_type3A_16, %convert_element_type3A, %dot_general3A {dimension_numbers = #tpu.dot_dimension_numbers<[1], [0], [0], [1], [0, 0, 1, 1], [], []>, precision = #tpu.contract_precision<fp32>, transpose_lhs_hint = false} : vector<64x64xf32>, vector<64x1xf32>, vector<64x1xf32> -> vector<64x1xf32>
    %dot_general3A_23 = arith.constant dense<0.000000e+00> : vector<64x1xf32>
    %dot_general3A_24 = tpu.matmul %convert_element_type3A_21, %convert_element_type3A, %dot_general3A_23 {dimension_numbers = #tpu.dot_dimension_numbers<[1], [0], [0], [1], [0, 0, 1, 1], [], []>, precision = #tpu.contract_precision<fp32>, transpose_lhs_hint = false} : vector<64x64xf32>, vector<64x1xf32>, vector<64x1xf32> -> vector<64x1xf32>
    %ne3A = arith.cmpf one, %dot_general3A_22, %dot_general3A_24 : vector<64x1xf32>
    %eq3A_25 = arith.constant 0.000000e+00 : f32
    %eq3A_26 = vector.broadcast %eq3A_25 : f32 to vector<64x1xf32>
    %eq3A_27 = arith.cmpf oeq, %slice3A, %eq3A_26 : vector<64x1xf32>
    %or3A = arith.ori %ne3A, %eq3A_27 : vector<64x1xi1>
    %convert_element_type3A_28 = arith.extui %or3A : vector<64x1xi1> to vector<64x1xi32>
    %convert_element_type3A_29 = arith.sitofp %convert_element_type3A_28 : vector<64x1xi32> to vector<64x1xf32>
    %le3A = arith.cmpf ole, %convert_element_type3A_4, %convert_element_type3A_2 : vector<64x64xf32>
    %convert_element_type3A_30 = arith.extui %le3A : vector<64x64xi1> to vector<64x64xi32>
    %convert_element_type3A_31 = arith.sitofp %convert_element_type3A_30 : vector<64x64xi32> to vector<64x64xf32>
    %dot_general3A_32 = arith.constant dense<0.000000e+00> : vector<64x1xf32>
    %dot_general3A_33 = tpu.matmul %convert_element_type3A_31, %convert_element_type3A_29, %dot_general3A_32 {dimension_numbers = #tpu.dot_dimension_numbers<[1], [0], [0], [1], [0, 0, 1, 1], [], []>, precision = #tpu.contract_precision<fp32>, transpose_lhs_hint = false} : vector<64x64xf32>, vector<64x1xf32>, vector<64x1xf32> -> vector<64x1xf32>
    %sub3A_34 = arith.constant 1.000000e+00 : f32
    %sub3A_35 = vector.broadcast %sub3A_34 : f32 to vector<64x1xf32>
    %sub3A_36 = arith.subf %dot_general3A_33, %sub3A_35 : vector<64x1xf32>
    %reduce_sum3A_37 = arith.constant dense<0.000000e+00> : vector<1xf32>
    %reduce_sum3A_38 = vector.multi_reduction <add>, %convert_element_type3A_29, %reduce_sum3A_37 [0] : vector<64x1xf32> to vector<1xf32>
    %broadcast_in_dim3A_39 = vector.shape_cast %reduce_sum3A_38 : vector<1xf32> to vector<1x1xf32>
    %broadcast_in_dim3A_40 = vector.shape_cast %broadcast_in_dim3A_39 : vector<1x1xf32> to vector<1x1xf32>
    %broadcast_in_dim3A_41 = vector.broadcast %broadcast_in_dim3A_40 : vector<1x1xf32> to vector<64x1xf32>
    %sub3A_42 = arith.constant 1.000000e+00 : f32
    %sub3A_43 = vector.broadcast %sub3A_42 : f32 to vector<64x1xf32>
    %sub3A_44 = arith.subf %broadcast_in_dim3A_41, %sub3A_43 : vector<64x1xf32>
    %min3A = arith.minimumf %slice3A, %sub3A_44 : vector<64x1xf32>
    %broadcast_in_dim3A_45 = vector.shape_cast %sub3A_36 : vector<64x1xf32> to vector<64x1xf32>
    %broadcast_in_dim3A_46 = vector.broadcast %broadcast_in_dim3A_45 : vector<64x1xf32> to vector<64x64xf32>
    %transpose3A_47 = tpu.transpose %broadcast_in_dim3A_46, [1, 0] : vector<64x64xf32> -> vector<64x64xf32>
    %broadcast_in_dim3A_48 = vector.shape_cast %convert_element_type3A_29 : vector<64x1xf32> to vector<64x1xf32>
    %broadcast_in_dim3A_49 = vector.broadcast %broadcast_in_dim3A_48 : vector<64x1xf32> to vector<64x64xf32>
    %transpose3A_50 = tpu.transpose %broadcast_in_dim3A_49, [1, 0] : vector<64x64xf32> -> vector<64x64xf32>
    %eq3A_51 = vector.broadcast %min3A : vector<64x1xf32> to vector<64x64xf32>
    %eq3A_52 = arith.cmpf oeq, %transpose3A_47, %eq3A_51 : vector<64x64xf32>
    %convert_element_type3A_53 = arith.extui %eq3A_52 : vector<64x64xi1> to vector<64x64xi32>
    %convert_element_type3A_54 = arith.sitofp %convert_element_type3A_53 : vector<64x64xi32> to vector<64x64xf32>
    %mul3A_55 = arith.mulf %convert_element_type3A_54, %transpose3A_50 : vector<64x64xf32>
    %dot_general3A_56 = arith.constant dense<0.000000e+00> : vector<64x1xf32>
    %dot_general3A_57 = tpu.matmul %mul3A_55, %dot_general3A_22, %dot_general3A_56 {dimension_numbers = #tpu.dot_dimension_numbers<[1], [0], [0], [1], [0, 0, 1, 1], [], []>, precision = #tpu.contract_precision<fp32>, transpose_lhs_hint = false} : vector<64x64xf32>, vector<64x1xf32>, vector<64x1xf32> -> vector<64x1xf32>
    %convert_element_type3A_58 = arith.fptosi %dot_general3A_57 : vector<64x1xf32> to vector<64x1xi32>
    %swap3A = arith.constant 0 : index
    %swap3A_59 = arith.constant 0 : index
    %swap3A_60 = vector.load %arg1[%swap3A, %swap3A_59] : memref<64x1xi32, #tpu.memory_space<vmem>>, vector<64x1xi32>
    tpu.vector_store %arg1[%swap3A, %swap3A_59], %convert_element_type3A_58 {strides = array<i32>} : memref<64x1xi32, #tpu.memory_space<vmem>>, vector<64x1xi32>,
    %broadcast_in_dim3A_61 = vector.shape_cast %broadcast_in_dim3A_39 : vector<1x1xf32> to vector<1x1xf32>
    %broadcast_in_dim3A_62 = vector.broadcast %broadcast_in_dim3A_61 : vector<1x1xf32> to vector<64x1xf32>
    %lt3A_63 = arith.cmpf olt, %slice3A, %broadcast_in_dim3A_62 : vector<64x1xf32>
    %convert_element_type3A_64 = arith.extui %lt3A_63 : vector<64x1xi1> to vector<64x1xi32>
    %swap3A_65 = arith.constant 0 : index
    %swap3A_66 = arith.constant 0 : index
    %swap3A_67 = vector.load %arg2[%swap3A_65, %swap3A_66] : memref<64x1xi32, #tpu.memory_space<vmem>>, vector<64x1xi32>
    tpu.vector_store %arg2[%swap3A_65, %swap3A_66], %convert_element_type3A_64 {strides = array<i32>} : memref<64x1xi32, #tpu.memory_space<vmem>>, vector<64x1xi32>,
    return
  }
}

module attributes {stable_mosaic.version = 14 : i64} {
  func.func @_moe_kernel(%arg0: i32, %arg1: memref<64xi32, #tpu.memory_space<smem>>, %arg2: memref<64xi32, #tpu.memory_space<smem>>, %arg3: memref<64x32xf32, #tpu.memory_space<vmem>>, %arg4: memref<32x1024xf32, #tpu.memory_space<vmem>>, %arg5: memref<1x1024x1024xf32, #tpu.memory_space<vmem>>, %arg6: memref<1x1024x512xf32, #tpu.memory_space<vmem>>, %arg7: memref<32x1024xf32, #tpu.memory_space<vmem>>) attributes {dimension_semantics = [#tpu.dimension_semantics<arbitrary>], iteration_bounds = array<i64: 64>, scalar_prefetch = 2 : i64, scratch_operands = 0 : i64, tpu.core_type = #tpu.core_type<tc>, window_params = [{pipeline_mode = #tpu.pipeline_mode<synchronous>, transform_indices = @transform_0, window_bounds = array<i64: 64, 32>}, {pipeline_mode = #tpu.pipeline_mode<synchronous>, transform_indices = @transform_1, window_bounds = array<i64: 32, 1024>}, {transform_indices = @transform_2, window_bounds = array<i64: 1, 1024, 1024>}, {transform_indices = @transform_3, window_bounds = array<i64: 1, 1024, 512>}, {pipeline_mode = #tpu.pipeline_mode<synchronous>, transform_indices = @transform_4, window_bounds = array<i64: 32, 1024>}]} {
    %eq3A = arith.constant 0 : i32
    %eq3A_0 = arith.cmpi eq, %arg0, %eq3A : i32
    %convert_element_type3A = arith.extui %eq3A_0 : i1 to i32
    %cond3A = arith.constant 0 : i32
    %cond3A_1 = arith.cmpi ne, %convert_element_type3A, %cond3A : i32
    scf.if %cond3A_1 {
      %broadcast_in_dim3A = arith.constant 0.000000e+00 : f32
      %broadcast_in_dim3A_8 = vector.broadcast %broadcast_in_dim3A : f32 to vector<32x1024xf32>
      %swap3A = arith.constant 0 : index
      %swap3A_9 = arith.constant 0 : index
      %swap3A_10 = vector.load %arg7[%swap3A, %swap3A_9] : memref<32x1024xf32, #tpu.memory_space<vmem>>, vector<32x1024xf32>
      tpu.vector_store %arg7[%swap3A, %swap3A_9], %broadcast_in_dim3A_8 {strides = array<i32>} : memref<32x1024xf32, #tpu.memory_space<vmem>>, vector<32x1024xf32>,
    } else {
    }
    %get3A = arith.index_cast %arg0 : i32 to index
    %get3A_2 = memref.load %arg2[%get3A] : memref<64xi32, #tpu.memory_space<smem>>
    %eq3A_3 = arith.constant 1 : i32
    %eq3A_4 = arith.cmpi eq, %get3A_2, %eq3A_3 : i32
    %convert_element_type3A_5 = arith.extui %eq3A_4 : i1 to i32
    %cond3A_6 = arith.constant 0 : i32
    %cond3A_7 = arith.cmpi ne, %convert_element_type3A_5, %cond3A_6 : i32
    scf.if %cond3A_7 {
      %get3A_8 = arith.constant 0 : index
      %get3A_9 = arith.constant 0 : index
      %get3A_10 = arith.constant 0 : index
      %get3A_11 = vector.load %arg5[%get3A_8, %get3A_9, %get3A_10] : memref<1x1024x1024xf32, #tpu.memory_space<vmem>>, vector<1x1024x1024xf32>
      %get3A_12 = vector.shape_cast %get3A_11 : vector<1x1024x1024xf32> to vector<1024x1024xf32>
      %get3A_13 = arith.constant 0 : index
      %get3A_14 = arith.constant 0 : index
      %get3A_15 = vector.load %arg4[%get3A_13, %get3A_14] : memref<32x1024xf32, #tpu.memory_space<vmem>>, vector<32x1024xf32>
      %dot_general3A = arith.constant dense<0.000000e+00> : vector<32x1024xf32>
      %dot_general3A_16 = tpu.matmul %get3A_15, %get3A_12, %dot_general3A {dimension_numbers = #tpu.dot_dimension_numbers<[1], [1], [0], [0], [0, 0, 1, 0], [], []>, transpose_lhs_hint = false} : vector<32x1024xf32>, vector<1024x1024xf32>, vector<32x1024xf32> -> vector<32x1024xf32>
      %slice3A = vector.extract_strided_slice %dot_general3A_16 {offsets = [0, 0], sizes = [32, 512], strides = [1, 1]} : vector<32x1024xf32> to vector<32x512xf32>
      %slice3A_17 = vector.extract_strided_slice %dot_general3A_16 {offsets = [0, 512], sizes = [32, 512], strides = [1, 1]} : vector<32x1024xf32> to vector<32x512xf32>
      %logistic3A = arith.negf %slice3A : vector<32x512xf32>
      %logistic3A_18 = math.exp %logistic3A : vector<32x512xf32>
      %logistic3A_19 = arith.constant 1.000000e+00 : f32
      %logistic3A_20 = vector.broadcast %logistic3A_19 : f32 to vector<32x512xf32>
      %logistic3A_21 = arith.addf %logistic3A_20, %logistic3A_18 : vector<32x512xf32>
      %logistic3A_22 = arith.divf %logistic3A_20, %logistic3A_21 : vector<32x512xf32>
      %mul3A = arith.mulf %slice3A, %logistic3A_22 : vector<32x512xf32>
      %mul3A_23 = arith.mulf %mul3A, %slice3A_17 : vector<32x512xf32>
      %get3A_24 = arith.constant 0 : index
      %get3A_25 = arith.constant 0 : index
      %get3A_26 = arith.constant 0 : index
      %get3A_27 = vector.load %arg6[%get3A_24, %get3A_25, %get3A_26] : memref<1x1024x512xf32, #tpu.memory_space<vmem>>, vector<1x1024x512xf32>
      %get3A_28 = vector.shape_cast %get3A_27 : vector<1x1024x512xf32> to vector<1024x512xf32>
      %dot_general3A_29 = arith.constant dense<0.000000e+00> : vector<32x1024xf32>
      %dot_general3A_30 = tpu.matmul %mul3A_23, %get3A_28, %dot_general3A_29 {dimension_numbers = #tpu.dot_dimension_numbers<[1], [1], [0], [0], [0, 0, 1, 0], [], []>, transpose_lhs_hint = false} : vector<32x512xf32>, vector<1024x512xf32>, vector<32x1024xf32> -> vector<32x1024xf32>
      %get3A_31 = arith.index_cast %arg0 : i32 to index
      %get3A_32 = memref.load %arg1[%get3A_31] : memref<64xi32, #tpu.memory_space<smem>>
      %get3A_33 = arith.index_cast %get3A_32 : i32 to index
      %get3A_34 = arith.constant 0 : index
      %get3A_35 = vector.load %arg3[%get3A_33, %get3A_34] : memref<64x32xf32, #tpu.memory_space<vmem>>, vector<1x32xf32>
      %iota3A = tpu.iota {dimensions = array<i32: 0>} : vector<32x32xi32>
      %iota3A_36 = tpu.iota {dimensions = array<i32: 1>} : vector<32x32xi32>
      %eq3A_37 = arith.cmpi eq, %iota3A, %iota3A_36 : vector<32x32xi32>
      %convert_element_type3A_38 = arith.extui %eq3A_37 : vector<32x32xi1> to vector<32x32xi32>
      %convert_element_type3A_39 = arith.sitofp %convert_element_type3A_38 : vector<32x32xi32> to vector<32x32xf32>
      %dot_general3A_40 = arith.constant dense<0.000000e+00> : vector<32x1xf32>
      %dot_general3A_41 = tpu.matmul %convert_element_type3A_39, %get3A_35, %dot_general3A_40 {dimension_numbers = #tpu.dot_dimension_numbers<[1], [1], [0], [0], [0, 0, 1, 0], [], []>, transpose_lhs_hint = false} : vector<32x32xf32>, vector<1x32xf32>, vector<32x1xf32> -> vector<32x1xf32>
      %get3A_42 = arith.constant 0 : index
      %get3A_43 = arith.constant 0 : index
      %get3A_44 = vector.load %arg7[%get3A_42, %get3A_43] : memref<32x1024xf32, #tpu.memory_space<vmem>>, vector<32x1024xf32>
      %mul3A_45 = vector.broadcast %dot_general3A_41 : vector<32x1xf32> to vector<32x1024xf32>
      %mul3A_46 = arith.mulf %mul3A_45, %dot_general3A_30 : vector<32x1024xf32>
      %add3A = arith.addf %get3A_44, %mul3A_46 : vector<32x1024xf32>
      %swap3A = arith.constant 0 : index
      %swap3A_47 = arith.constant 0 : index
      %swap3A_48 = vector.load %arg7[%swap3A, %swap3A_47] : memref<32x1024xf32, #tpu.memory_space<vmem>>, vector<32x1024xf32>
      tpu.vector_store %arg7[%swap3A, %swap3A_47], %add3A {strides = array<i32>} : memref<32x1024xf32, #tpu.memory_space<vmem>>, vector<32x1024xf32>,
    } else {
    }
    return
  }
  func.func @transform_0(%arg0: i32, %arg1: memref<64xi32, #tpu.memory_space<smem>>, %arg2: memref<64xi32, #tpu.memory_space<smem>>) -> (i32, i32) {
    %c0_i32 = arith.constant 0 : i32
    %c0_i32_0 = arith.constant 0 : i32
    %c0_i32_1 = arith.constant 0 : i32
    return %c0_i32, %c0_i32_0 : i32, i32
  }
  func.func @transform_1(%arg0: i32, %arg1: memref<64xi32, #tpu.memory_space<smem>>, %arg2: memref<64xi32, #tpu.memory_space<smem>>) -> (i32, i32) {
    %c0_i32 = arith.constant 0 : i32
    %c0_i32_0 = arith.constant 0 : i32
    %c0_i32_1 = arith.constant 0 : i32
    return %c0_i32, %c0_i32_0 : i32, i32
  }
  func.func @transform_2(%arg0: i32, %arg1: memref<64xi32, #tpu.memory_space<smem>>, %arg2: memref<64xi32, #tpu.memory_space<smem>>) -> (i32, i32, i32) {
    %get3A = arith.index_cast %arg0 : i32 to index
    %get3A_0 = memref.load %arg1[%get3A] : memref<64xi32, #tpu.memory_space<smem>>
    %c0_i32 = arith.constant 0 : i32
    %c0_i32_1 = arith.constant 0 : i32
    %c0_i32_2 = arith.constant 0 : i32
    return %get3A_0, %c0_i32, %c0_i32_1 : i32, i32, i32
  }
  func.func @transform_3(%arg0: i32, %arg1: memref<64xi32, #tpu.memory_space<smem>>, %arg2: memref<64xi32, #tpu.memory_space<smem>>) -> (i32, i32, i32) {
    %get3A = arith.index_cast %arg0 : i32 to index
    %get3A_0 = memref.load %arg1[%get3A] : memref<64xi32, #tpu.memory_space<smem>>
    %c0_i32 = arith.constant 0 : i32
    %c0_i32_1 = arith.constant 0 : i32
    %c0_i32_2 = arith.constant 0 : i32
    return %get3A_0, %c0_i32, %c0_i32_1 : i32, i32, i32
  }
  func.func @transform_4(%arg0: i32, %arg1: memref<64xi32, #tpu.memory_space<smem>>, %arg2: memref<64xi32, #tpu.memory_space<smem>>) -> (i32, i32) {
    %c0_i32 = arith.constant 0 : i32
    %c0_i32_0 = arith.constant 0 : i32
    %c0_i32_1 = arith.constant 0 : i32
    return %c0_i32, %c0_i32_0 : i32, i32
  }
}

</mosaic_0001>

<sc_bundles>
// kernel: kernel.5.cloned.1.call-start
scs
__scs_entry_jumppad:
0x0: {  	(pc) =	sbr.rel $0x88, $3  }
0x1: {  	(tag) =	ssettag $0x0;
	lr =	simm.s32 $0x1  }
0x2: {  	[smem:$0x3F9D] =	sst lr;
	_ =	strace $0xD0000000  }
0x3: {  	_ = 	snop  }
0x4: {  	_ = 	snop  }
0x5: {  	_ = 	snop  }
0x6: {  	_ = 	snop  }
0x7: {  	_ = 	snop  }
__scs_overlays_trampoline_lowered:
0x8: {  	[smem:$0x3FAC] =	sst s0  }
0x9: {  	[smem:$0x3FAD] =	sst s1  }
0xa: {  	[smem:$0x3FAE] =	sst s2  }
0xb: {  	[smem:$0x3FAF] =	sst s3  }
0xc: {  	[smem:$0x3FB0] =	sst s4  }
0xd: {  	[smem:$0x3FB1] =	sst s5  }
0xe: {  	[smem:$0x3FB2] =	sst s6  }
0xf: {  	[smem:$0x3FB3] =	sst s7  }
0x10: {  	[smem:$0x3FB4] =	sst s8  }
0x11: {  	[smem:$0x3FB5] =	sst s9;
	s0 =	simm.s32 @!p0 $0x0  }
0x12: {  	s1 =	sld [smem:$0x3F9B];
	s0 =	simm.s32 @p0 $0x1  }
0x13: {  	[smem:$0x3FB6] =	sst s0;
	s0 =	simm.s32 @!p1 $0x0  }
0x14: {  	s2 =	sld [smem:$0x3F9A];
	s0 =	simm.s32 @p1 $0x1  }
0x15: {  	[smem:$0x3FB7] =	sst s0;
	s0 =	simm.s32 @!p2 $0x0  }
0x16: {  	s3 =	sld [smem:$0x3FDB];
	s0 =	simm.s32 @p2 $0x1  }
0x17: {  	s4 =	simm.s32 $0x1BF5;
	[smem:$0x3FB9] =	sst s0  }
0x18: {  	s0 =	sld [smem:$0x3F9C];
	_ =	swait.ge [sflag:s4], $0x0  }
0x19: {  	s7 =	sld [smem:$0x3F9D]  }
0x1a: {  	s8 =	sadd.s32 $0xFFFFE003, lr  }
0x1b: {  	s9 =	sadd.s32 $0xFFFFFEF7, lr;
	s5 =	simm.s32 $0xFFFFFFFF;
	p2 =	slt.u32 s8, $0xFFFFF086  }
0x1c: {  	p1 =	slt.u32 s9, $0xF7A;
	s5 =	simm.s32 @!p2 $0x0  }
0x1d: {  	s5 =	simm.s32 @p1 $0x1;
	p0 =	seq.s32 s7, s2  }
0x1e: {  	s7 =	smul.u32 @!p0 $0xF7A, s2;
	p2 =	seq.s32 @!p0 s5, $0x0  }
0x1f: {  	s9 =	smul.u32 $0xF7A, s1;
	s8 =	simm.s32 @!p0 $0x1BF5;
	p2 =	por !p2, p0  }
0x20: {  	[sflag:s8] =	ssyncset.s32 @!p0 $0xFFFFF086;
	s6 =	sadd.s32 @!p0 s3, s7;
	s7 =	simm.s32 @!p0 $0x108  }
0x21: {  	s3 =	sadd.s32 s3, s9;
	s6 =	sadd.s32 @!p0 $0x88, s6;
	s7 =	simm.s32 @p2 $0x1082  }
0x22: {  	[simem:s7], [sflag:s8] =	dma.local @!p0 [hbm:s6], $0xF7A  }
0x23: {  	s9 =	sor.u32 $0xD0000000, s2;
	s6 =	simm.s32 $0x108;
	_ =	swait.ge @!p0 [sflag:s8], $0x0  }
0x24: {  	s3 =	sadd.s32 $0x88, s3;
	s6 =	simm.s32 @!p1 $0x1082;
	[sflag:s4] =	ssyncset.s32 $0xFFFFF086  }
0x25: {  	[simem:s6], [sflag:s4] =	dma.local [hbm:s3], $0xF7A  }
0x26: {  	[smem:$0x3F9D] =	sst s1;
	(tag) =	ssettag s2;
	_ =	strace s9  }
0x27: {  	s1 =	sld [smem:$0x3FAD]  }
0x28: {  	s2 =	sld [smem:$0x3FAE]  }
0x29: {  	s4 =	sld [smem:$0x3FB0]  }
0x2a: {  	p0 =	seq.s32 s5, $0x0;
	s5 =	sld [smem:$0x3FB1]  }
0x2b: {  	s6 =	sld [smem:$0x3FB2]  }
0x2c: {  	s7 =	sld [smem:$0x3FB3]  }
0x2d: {  	s3 =	simm.s32 $0x108;
	s8 =	sld [smem:$0x3FB4]  }
0x2e: {  	s3 =	simm.s32 @!p0 $0x1082;
	s9 =	sld [smem:$0x3FB5]  }
0x2f: {  	lr =	sadd.s32 s0, s3;
	s0 =	sld [smem:$0x3FAC]  }
0x30: {  	s3 =	sld [smem:$0x3FAF]  }
0x31: {  	[smem:$0x3FB8] =	sst s10  }
0x32: {  	s10 =	sld [smem:$0x3FB6];
	_ =	sdelay $0x3  }
0x33: {  	p0 =	seq.s32 s10, $0x1;
	s10 =	sld [smem:$0x3FB8];
	_ =	sdelay $0x3  }
0x34: {  	[smem:$0x3FB8] =	sst s10  }
0x35: {  	s10 =	sld [smem:$0x3FB7];
	_ =	sdelay $0x3  }
0x36: {  	p1 =	seq.s32 s10, $0x1;
	s10 =	sld [smem:$0x3FB8];
	_ =	sdelay $0x3  }
0x37: {  	[smem:$0x3FB8] =	sst s10  }
0x38: {  	s10 =	sld [smem:$0x3FB9]  }
0x39: {  	_ = 	snop;
	(pc) =	sbr.ind lr, $3  }
0x3a: {  	_ = 	snop  }
0x3b: {  	_ = 	snop  }
0x3c: {  	p2 =	seq.s32 s10, $0x1;
	s10 =	sld [smem:$0x3FB8]  }
0x3d: {  	_ =	shalt  }
0x3e: {  	_ =	shalt  }
0x3f: {  	_ =	shalt  }
0x40: {  	_ =	shalt  }
0x41: {  	_ =	shalt  }
0x42: {  	_ =	shalt  }
0x43: {  	_ =	shalt  }
0x44: {  	_ =	shalt  }
0x45: {  	_ =	shalt  }
0x46: {  	_ =	shalt  }
0x47: {  	_ =	shalt  }
0x48: {  	_ =	shalt  }
0x49: {  	_ =	shalt  }
0x4a: {  	_ =	shalt  }
0x4b: {  	_ =	shalt  }
0x4c: {  	_ =	shalt  }
0x4d: {  	_ =	shalt  }
0x4e: {  	_ =	shalt  }
0x4f: {  	_ =	shalt  }
0x50: {  	_ =	shalt  }
0x51: {  	_ =	shalt  }
0x52: {  	_ =	shalt  }
0x53: {  	_ =	shalt  }
0x54: {  	_ =	shalt  }
0x55: {  	_ =	shalt  }
0x56: {  	_ =	shalt  }
0x57: {  	_ =	shalt  }
0x58: {  	_ =	shalt  }
0x59: {  	_ =	shalt  }
0x5a: {  	_ =	shalt  }
0x5b: {  	_ =	shalt  }
0x5c: {  	_ =	shalt  }
0x5d: {  	_ =	shalt  }
0x5e: {  	_ =	shalt  }
0x5f: {  	_ =	shalt  }
0x60: {  	_ =	shalt  }
0x61: {  	_ =	shalt  }
0x62: {  	_ =	shalt  }
0x63: {  	_ =	shalt  }
0x64: {  	_ =	shalt  }
0x65: {  	_ =	shalt  }
0x66: {  	_ =	shalt  }
0x67: {  	_ =	shalt  }
0x68: {  	_ =	shalt  }
0x69: {  	_ =	shalt  }
0x6a: {  	_ =	shalt  }
0x6b: {  	_ =	shalt  }
0x6c: {  	_ =	shalt  }
0x6d: {  	_ =	shalt  }
0x6e: {  	_ =	shalt  }
0x6f: {  	_ =	shalt  }
0x70: {  	_ =	shalt  }
0x71: {  	_ =	shalt  }
0x72: {  	_ =	shalt  }
0x73: {  	_ =	shalt  }
0x74: {  	_ =	shalt  }
0x75: {  	_ =	shalt  }
0x76: {  	_ =	shalt  }
0x77: {  	_ =	shalt  }
0x78: {  	_ =	shalt  }
0x79: {  	_ =	shalt  }
0x7a: {  	_ =	shalt  }
0x7b: {  	_ =	shalt  }
0x7c: {  	_ =	shalt  }
0x7d: {  	_ =	shalt  }
0x7e: {  	_ =	shalt  }
0x7f: {  	_ =	shalt  }
0x80: {  	_ =	shalt  }
0x81: {  	_ =	shalt  }
0x82: {  	_ =	shalt  }
0x83: {  	_ =	shalt  }
0x84: {  	_ =	shalt  }
0x85: {  	_ =	shalt  }
0x86: {  	_ =	shalt  }
0x87: {  	_ =	shalt  }
.Lfunc_end0:
.L_simem_size_0:
called_computation_lowered:
.L_overlay_start_0:
0x88: {  	s2 =	sld [smem:$0x3FD9]  }
0x89: {  	s3 =	sld [smem:$0x3FFE];
	_ =	sdelay $0x1  }
0x8a: {  	s1 =	srdreg.scid  }
0x8b: {  	s0 =	sand.u32 $0x1, s1  }
0x8c: {  	s17 =	sshll.u32 s0, $0xA;
	s2 =	sadd.s32 s3, s2  }
0x8d: {  	s2 =	sadd.s32 s2, s17  }
0x8e: {  	[smem:$0x3FC4] =	sst s2  }
0x8f: {  	_ = 	snop  }
0x90: {  	s2 =	sld [smem:$0x3FD0];
	(tm) =	ssettm $0x1  }
0x91: {  	s18 =	sld [smem:$0x3FFB];
	_ =	sdelay $0x3  }
0x92: {  	_ =	strace s18  }
0x93: {  	s3 =	sld [smem:$0x3FFC];
	_ =	sdelay $0x3  }
0x94: {  	_ =	strace s3  }
0x95: {  	s3 =	sld [smem:$0x3FFD];
	_ =	sdelay $0x3  }
0x96: {  	_ =	strace s3  }
0x97: {  	_ =	strace $0x8FFFFFFF  }
0x98: {  	s19 =	sld [smem:$0x3FDB];
	_ =	sdelay $0x1  }
0x99: {  	s4 =	simm.s32 $_scs_section_size  }
0x9a: {  	s5 =	simm.s32 $_size__tile_overlayer_lowered;
	s6 =	simm.s32 $_tile_overlayer_lowered  }
0x9b: {  	s22 =	simm.s32 $0x1BFF;
	s21 =	sshll.u32 s6, $0x1;
	s3 =	sadd.s32 s4, s19  }
0x9c: {  	s7 =	simm.s32 $0x0;
	s20 =	sshll.u32 s5, $0x1;
	s5 =	sadd.s32 s21, s3  }
0x9d: {  	[timem:s7], [sflag:s22] =	dma.local [hbm:s5], s20  }
0x9e: {  	_ =	swait.ge [sflag:s22], s20  }
0x9f: {  	s4 =	ssub.s32 $0x0, s20;
	[sflag:s22] =	ssyncset.done $0x0  }
0xa0: {  	[sflag:s22] =	ssyncadd.s32 s4;
	_ =	sdelay $0x1  }
0xa1: {  	s23 =	simm.s32 $0x1B8B  }
0xa2: {  	_ =	swait.ge [sflag:s23], $0x1  }
0xa3: {  	[sflag:s23] =	ssyncset.done $0x0  }
0xa4: {  	s25 =	simm.s32 $0x1B8E;
	s24 =	sld [smem:$0x3FFE];
	[sflag:s23] =	ssyncadd.s32 $0xFFFFFFFF  }
0xa5: {  	s26 =	simm.s32 $execute0_lowered;
	[smem:$0x3FD2] =	sst s25  }
0xa6: {  	s5 =	sshll.u32 s26, $0x1;
	_ =	strace $0x80000046;
	[dreg:$0x1] =	wrdreg $0xFFFFFFFF  }
0xa7: {  	s28 =	simm.s32 $_size_execute0_lowered;
	s3 =	sadd.s32 s3, s5;
	[dreg:$0x0] =	wrdreg $0x0  }
0xa8: {  	s5 =	sshll.u32 s28, $0x1;
	[dreg:$0x2] =	wrdreg s3  }
0xa9: {  	[dreg:$0x3] =	wrdreg s5  }
0xaa: {  	[dreg:$0x4] =	wrdreg $0xC0  }
0xab: {  	_ =	task [dreg:s7], $0x5FFFF  }
0xac: {  	[dreg:$0x1] =	wrdreg $0xFFFFFFFF  }
0xad: {  	[dreg:$0x0] =	wrdreg $0x60  }
0xae: {  	[dreg:$0x2] =	wrdreg s2  }
0xaf: {  	[dreg:$0x3] =	wrdreg s24  }
0xb0: {  	[dreg:$0x4] =	wrdreg $0x9  }
0xb1: {  	_ =	task.clear_ibuf [dreg:s7], $0x5FFFF;
	_ =	strace $0x90000046  }
0xb2: {  	s29 =	simm.s32 $0x9;
	_ =	strace $0x80000048  }
0xb3: {  	_ =	swait.ge [sflag:s29], $0x1  }
0xb4: {  	[sflag:s29] =	ssyncadd.s32 $0xFFFFFFFF  }
0xb5: {  	_ =	strace $0x90000048  }
0xb6: {  	_ =	sfence  }
0xb7: {  	s30 =	sld [smem:$0x0];
	_ =	sdelay $0x2  }
0xb8: {  	s31 =	sshll.u32 s1, $0xD;
	s1 =	sshrl.u32 s1, $0x2  }
0xb9: {  	s3 =	sand.u32 $0x4000, s31;
	s1 =	sadd.s32 s1, s30  }
0xba: {  	s0 =	sor.u32 s3, s0;
	s1 =	sshll.u32 s1, $0x11  }
0xbb: {  	s0 =	sor.u32 s1, s0  }
0xbc: {  	s0 =	sadd.s32 $0x8F2B, s0  }
0xbd: {  	[sflag:s0] =	ssyncadd.remote.s32 $0x1  }
0xbe: {  	_ =	sfence.sel $0xFFFF  }
0xbf: {  	[dreg:$0x0] =	wrdreg $0xFFFFFFFF;
	(pc) =	sbr.abs _section_cstart, $3  }
0xc0: {  	[dreg:$0x1] =	wrdreg $0xFFFFFFFF  }
0xc1: {  	_ =	task.clear_ibuf [dreg:s7], $0x2FFFF;
	_ =	strace $0x9FFFFFFF  }
0xc2: {  	(tm) =	ssettm $0x7FFFFFFF  }
0xc3: {  	_ =	shalt  }
tec
execute0_lowered:
.L_overlay_start_1:
0x0: {  	(tag) =	ssettag $0x1  }
0x1: {  	s0 =	srdreg.scid  }
0x2: {  	s3 =	sand.u32 $0x1, s0;
	s0 =	stileid.u32  }
0x3: {  	s5 =	sor.u32 s0, s3  }
0x4: {  	p0 =	sne.s32 s5, $0x0  }
.Ltmp0:
0x5: {  	_ = 	snop;
	(pc) =	sbr.rel @p0 .LBB2_3-.Ltmp0, $4  }
0x6: {  	_ = 	snop  }
0x7: {  	s2 =	rddreg [dreg:$0x0]  }
0x8: {  	s4 =	rddreg [dreg:$0x1]  }
0x9: {  	s1 =	rddreg [dreg:$0x2];
	_ =	strace $0x80000047  }
0xa: {  	s5 =	ssub.s32 $0x2, s3;
	s3 =	sadd.s32 $0x400, s4;
	s4 =	sadd.s32 $0x600, s4  }
0xb: {  	s7 =	simm.s32 $0x1;
	s8 =	simm.s32 $0x4000;
	s6 =	sshrl.u32 s5, $0x1  }
0xc: {  	v0 =	vimm.s32 $0x0;
	s9 =	simm.s32 $0x2000;
	s5 =	ssub.s32 s5, s6;
	s6 =	simm.s32 $0x0  }
.LBB2_2:
0xd: {  	[tilespmem:s6], [sflag:$0x1] =	stream.linear.gather [hbm4b:s2+s6], $0x2000, $0x38;
	[tilespmem:$0x4080] =	vst v63  }
0xe: {  	_ =	swait.ge [sflag:s7], $0x2000  }
0xf: {  	[sflag:s7] =	ssyncset.done $0x0  }
0x10: {  	[sflag:s7] =	ssyncadd.s32 $0xFFFFE000  }
0x11: {  	v1 =	vld [tilespmem:$0x0];
	_ =	sdelay $0x3  }
0x12: {  	v2 =	vld [tilespmem:$0x10];
	[tilespmem:$0x4000] =	vst v0  }
0x13: {  	[tilespmem:$0x2000] =	vst v1;
	v1 =	vld [tilespmem:$0x110]  }
0x14: {  	v3 =	vld [tilespmem:$0x80];
	[tilespmem:$0x4010] =	vst v0  }
0x15: {  	v4 =	vld [tilespmem:$0x90];
	[tilespmem:$0x4020] =	vst v0  }
0x16: {  	v5 =	vld [tilespmem:$0x100];
	[tilespmem:$0x4030] =	vst v0  }
0x17: {  	[tilespmem:$0x2010] =	vst v2;
	v2 =	vld [tilespmem:$0x180]  }
0x18: {  	[tilespmem:$0x2110] =	vst v1;
	v1 =	vld [tilespmem:$0x280]  }
0x19: {  	v16 =	vld [tilespmem:$0x200];
	[tilespmem:$0x2080] =	vst v3  }
0x1a: {  	v17 =	vld [tilespmem:$0x210];
	[tilespmem:$0x2090] =	vst v4  }
0x1b: {  	v3 =	vld [tilespmem:$0x190];
	[tilespmem:$0x2100] =	vst v5  }
0x1c: {  	[tilespmem:$0x2180] =	vst v2;
	v2 =	vld [tilespmem:$0x290]  }
0x1d: {  	[tilespmem:$0x2280] =	vst v1;
	v1 =	vld [tilespmem:$0x390]  }
0x1e: {  	v18 =	vld [tilespmem:$0x310];
	[tilespmem:$0x2200] =	vst v16  }
0x1f: {  	v19 =	vld [tilespmem:$0x380];
	[tilespmem:$0x2210] =	vst v17  }
0x20: {  	[tilespmem:$0x2190] =	vst v3;
	v3 =	vld [tilespmem:$0x300]  }
0x21: {  	[tilespmem:$0x2290] =	vst v2;
	v2 =	vld [tilespmem:$0x400]  }
0x22: {  	[tilespmem:$0x2390] =	vst v1;
	v1 =	vld [tilespmem:$0x500]  }
0x23: {  	v20 =	vld [tilespmem:$0x480];
	[tilespmem:$0x2310] =	vst v18  }
0x24: {  	v21 =	vld [tilespmem:$0x490];
	[tilespmem:$0x2380] =	vst v19  }
0x25: {  	[tilespmem:$0x2300] =	vst v3;
	v3 =	vld [tilespmem:$0x410]  }
0x26: {  	[tilespmem:$0x2400] =	vst v2;
	v2 =	vld [tilespmem:$0x510]  }
0x27: {  	[tilespmem:$0x2500] =	vst v1;
	v1 =	vld [tilespmem:$0x610]  }
0x28: {  	v22 =	vld [tilespmem:$0x590];
	[tilespmem:$0x2480] =	vst v20  }
0x29: {  	v23 =	vld [tilespmem:$0x600];
	[tilespmem:$0x2490] =	vst v21  }
0x2a: {  	[tilespmem:$0x2410] =	vst v3;
	v3 =	vld [tilespmem:$0x580]  }
0x2b: {  	[tilespmem:$0x2510] =	vst v2;
	v2 =	vld [tilespmem:$0x680]  }
0x2c: {  	[tilespmem:$0x2610] =	vst v1;
	v1 =	vld [tilespmem:$0x780]  }
0x2d: {  	v24 =	vld [tilespmem:$0x700];
	[tilespmem:$0x2590] =	vst v22  }
0x2e: {  	v25 =	vld [tilespmem:$0x710];
	[tilespmem:$0x2600] =	vst v23  }
0x2f: {  	[tilespmem:$0x2580] =	vst v3;
	v3 =	vld [tilespmem:$0x690]  }
0x30: {  	[tilespmem:$0x2680] =	vst v2;
	v2 =	vld [tilespmem:$0x790]  }
0x31: {  	[tilespmem:$0x2780] =	vst v1;
	v1 =	vld [tilespmem:$0x890]  }
0x32: {  	v26 =	vld [tilespmem:$0x810];
	[tilespmem:$0x2700] =	vst v24  }
0x33: {  	v27 =	vld [tilespmem:$0x880];
	[tilespmem:$0x2710] =	vst v25  }
0x34: {  	[tilespmem:$0x2690] =	vst v3;
	v3 =	vld [tilespmem:$0x800]  }
0x35: {  	[tilespmem:$0x2790] =	vst v2;
	v2 =	vld [tilespmem:$0x900]  }
0x36: {  	[tilespmem:$0x2890] =	vst v1;
	v1 =	vld [tilespmem:$0xA00]  }
0x37: {  	v28 =	vld [tilespmem:$0x980];
	[tilespmem:$0x2810] =	vst v26  }
0x38: {  	v29 =	vld [tilespmem:$0x990];
	[tilespmem:$0x2880] =	vst v27  }
0x39: {  	[tilespmem:$0x2800] =	vst v3;
	v3 =	vld [tilespmem:$0x910]  }
0x3a: {  	[tilespmem:$0x2900] =	vst v2;
	v2 =	vld [tilespmem:$0xA10]  }
0x3b: {  	[tilespmem:$0x2A00] =	vst v1;
	v1 =	vld [tilespmem:$0xB10]  }
0x3c: {  	v30 =	vld [tilespmem:$0xA90];
	[tilespmem:$0x2980] =	vst v28  }
0x3d: {  	v31 =	vld [tilespmem:$0xB00];
	[tilespmem:$0x2990] =	vst v29  }
0x3e: {  	[tilespmem:$0x2910] =	vst v3;
	v3 =	vld [tilespmem:$0xA80]  }
0x3f: {  	[tilespmem:$0x2A10] =	vst v2;
	v2 =	vld [tilespmem:$0xB80]  }
0x40: {  	[tilespmem:$0x2B10] =	vst v1;
	v1 =	vld [tilespmem:$0xC80]  }
0x41: {  	v32 =	vld [tilespmem:$0xC00];
	[tilespmem:$0x2A90] =	vst v30  }
0x42: {  	v33 =	vld [tilespmem:$0xC10];
	[tilespmem:$0x2B00] =	vst v31  }
0x43: {  	[tilespmem:$0x2A80] =	vst v3;
	v3 =	vld [tilespmem:$0xB90]  }
0x44: {  	[tilespmem:$0x2B80] =	vst v2;
	v2 =	vld [tilespmem:$0xC90]  }
0x45: {  	[tilespmem:$0x2C80] =	vst v1;
	v1 =	vld [tilespmem:$0xD90]  }
0x46: {  	v34 =	vld [tilespmem:$0xD10];
	[tilespmem:$0x2C00] =	vst v32  }
0x47: {  	v35 =	vld [tilespmem:$0xD80];
	[tilespmem:$0x2C10] =	vst v33  }
0x48: {  	[tilespmem:$0x2B90] =	vst v3;
	v3 =	vld [tilespmem:$0xD00]  }
0x49: {  	[tilespmem:$0x2C90] =	vst v2;
	v2 =	vld [tilespmem:$0xE00]  }
0x4a: {  	[tilespmem:$0x2D90] =	vst v1;
	v1 =	vld [tilespmem:$0xF00]  }
0x4b: {  	v36 =	vld [tilespmem:$0xE80];
	[tilespmem:$0x2D10] =	vst v34  }
0x4c: {  	v37 =	vld [tilespmem:$0xE90];
	[tilespmem:$0x2D80] =	vst v35  }
0x4d: {  	[tilespmem:$0x2D00] =	vst v3;
	v3 =	vld [tilespmem:$0xE10]  }
0x4e: {  	[tilespmem:$0x2E00] =	vst v2;
	v2 =	vld [tilespmem:$0xF10]  }
0x4f: {  	[tilespmem:$0x2F00] =	vst v1;
	v1 =	vld [tilespmem:$0x1010]  }
0x50: {  	v38 =	vld [tilespmem:$0xF90];
	[tilespmem:$0x2E80] =	vst v36  }
0x51: {  	v39 =	vld [tilespmem:$0x1000];
	[tilespmem:$0x2E90] =	vst v37  }
0x52: {  	[tilespmem:$0x2E10] =	vst v3;
	v3 =	vld [tilespmem:$0xF80]  }
0x53: {  	[tilespmem:$0x2F10] =	vst v2;
	v2 =	vld [tilespmem:$0x1080]  }
0x54: {  	[tilespmem:$0x3010] =	vst v1;
	v1 =	vld [tilespmem:$0x1180]  }
0x55: {  	v40 =	vld [tilespmem:$0x1100];
	[tilespmem:$0x2F90] =	vst v38  }
0x56: {  	v41 =	vld [tilespmem:$0x1110];
	[tilespmem:$0x3000] =	vst v39  }
0x57: {  	[tilespmem:$0x2F80] =	vst v3;
	v3 =	vld [tilespmem:$0x1090]  }
0x58: {  	[tilespmem:$0x3080] =	vst v2;
	v2 =	vld [tilespmem:$0x1190]  }
0x59: {  	[tilespmem:$0x3180] =	vst v1;
	v1 =	vld [tilespmem:$0x1290]  }
0x5a: {  	v42 =	vld [tilespmem:$0x1210];
	[tilespmem:$0x3100] =	vst v40  }
0x5b: {  	v43 =	vld [tilespmem:$0x1280];
	[tilespmem:$0x3110] =	vst v41  }
0x5c: {  	[tilespmem:$0x3090] =	vst v3;
	v3 =	vld [tilespmem:$0x1200]  }
0x5d: {  	[tilespmem:$0x3190] =	vst v2;
	v2 =	vld [tilespmem:$0x1300]  }
0x5e: {  	[tilespmem:$0x3290] =	vst v1;
	v1 =	vld [tilespmem:$0x1400]  }
0x5f: {  	v44 =	vld [tilespmem:$0x1380];
	[tilespmem:$0x3210] =	vst v42  }
0x60: {  	v45 =	vld [tilespmem:$0x1390];
	[tilespmem:$0x3280] =	vst v43  }
0x61: {  	[tilespmem:$0x3200] =	vst v3;
	v3 =	vld [tilespmem:$0x1310]  }
0x62: {  	[tilespmem:$0x3300] =	vst v2;
	v2 =	vld [tilespmem:$0x1410]  }
0x63: {  	[tilespmem:$0x3400] =	vst v1;
	v1 =	vld [tilespmem:$0x1510]  }
0x64: {  	v46 =	vld [tilespmem:$0x1490];
	[tilespmem:$0x3380] =	vst v44  }
0x65: {  	v47 =	vld [tilespmem:$0x1500];
	[tilespmem:$0x3390] =	vst v45  }
0x66: {  	[tilespmem:$0x3310] =	vst v3;
	v3 =	vld [tilespmem:$0x1480]  }
0x67: {  	[tilespmem:$0x3410] =	vst v2;
	v2 =	vld [tilespmem:$0x1580]  }
0x68: {  	[tilespmem:$0x3510] =	vst v1;
	v1 =	vld [tilespmem:$0x1680]  }
0x69: {  	v48 =	vld [tilespmem:$0x1600];
	[tilespmem:$0x3490] =	vst v46  }
0x6a: {  	v49 =	vld [tilespmem:$0x1610];
	[tilespmem:$0x3500] =	vst v47  }
0x6b: {  	[tilespmem:$0x3480] =	vst v3;
	v3 =	vld [tilespmem:$0x1590]  }
0x6c: {  	[tilespmem:$0x3580] =	vst v2;
	v2 =	vld [tilespmem:$0x1690]  }
0x6d: {  	[tilespmem:$0x3680] =	vst v1;
	v1 =	vld [tilespmem:$0x1790]  }
0x6e: {  	v50 =	vld [tilespmem:$0x1710];
	[tilespmem:$0x3600] =	vst v48  }
0x6f: {  	v51 =	vld [tilespmem:$0x1780];
	[tilespmem:$0x3610] =	vst v49  }
0x70: {  	[tilespmem:$0x3590] =	vst v3;
	v3 =	vld [tilespmem:$0x1700]  }
0x71: {  	[tilespmem:$0x3690] =	vst v2;
	v2 =	vld [tilespmem:$0x1800]  }
0x72: {  	[tilespmem:$0x3790] =	vst v1;
	v1 =	vld [tilespmem:$0x1900]  }
0x73: {  	v52 =	vld [tilespmem:$0x1880];
	[tilespmem:$0x3710] =	vst v50  }
0x74: {  	v53 =	vld [tilespmem:$0x1890];
	[tilespmem:$0x3780] =	vst v51  }
0x75: {  	[tilespmem:$0x3700] =	vst v3;
	v3 =	vld [tilespmem:$0x1810]  }
0x76: {  	[tilespmem:$0x3800] =	vst v2;
	v2 =	vld [tilespmem:$0x1910]  }
0x77: {  	[tilespmem:$0x3900] =	vst v1;
	v1 =	vld [tilespmem:$0x1A10]  }
0x78: {  	v54 =	vld [tilespmem:$0x1990];
	[tilespmem:$0x3880] =	vst v52  }
0x79: {  	v55 =	vld [tilespmem:$0x1A00];
	[tilespmem:$0x3890] =	vst v53  }
0x7a: {  	[tilespmem:$0x3810] =	vst v3;
	v3 =	vld [tilespmem:$0x1980]  }
0x7b: {  	[tilespmem:$0x3910] =	vst v2;
	v2 =	vld [tilespmem:$0x1A80]  }
0x7c: {  	[tilespmem:$0x3A10] =	vst v1;
	v1 =	vld [tilespmem:$0x1B80]  }
0x7d: {  	v56 =	vld [tilespmem:$0x1B00];
	[tilespmem:$0x3990] =	vst v54  }
0x7e: {  	v57 =	vld [tilespmem:$0x1B10];
	[tilespmem:$0x3A00] =	vst v55  }
0x7f: {  	[tilespmem:$0x3980] =	vst v3;
	v3 =	vld [tilespmem:$0x1A90]  }
0x80: {  	[tilespmem:$0x3A80] =	vst v2;
	v2 =	vld [tilespmem:$0x1B90]  }
0x81: {  	[tilespmem:$0x3B80] =	vst v1;
	v1 =	vld [tilespmem:$0x1C90]  }
0x82: {  	v58 =	vld [tilespmem:$0x1C10];
	[tilespmem:$0x3B00] =	vst v56  }
0x83: {  	v59 =	vld [tilespmem:$0x1C80];
	[tilespmem:$0x3B10] =	vst v57  }
0x84: {  	[tilespmem:$0x3A90] =	vst v3;
	v3 =	vld [tilespmem:$0x1C00]  }
0x85: {  	[tilespmem:$0x3B90] =	vst v2;
	v2 =	vld [tilespmem:$0x1D00]  }
0x86: {  	[tilespmem:$0x3C90] =	vst v1;
	v1 =	vld [tilespmem:$0x1E00]  }
0x87: {  	v60 =	vld [tilespmem:$0x1D80];
	[tilespmem:$0x3C10] =	vst v58  }
0x88: {  	v61 =	vld [tilespmem:$0x1D90];
	[tilespmem:$0x3C80] =	vst v59  }
0x89: {  	[tilespmem:$0x3C00] =	vst v3;
	v3 =	vld [tilespmem:$0x1D10]  }
0x8a: {  	[tilespmem:$0x3D00] =	vst v2;
	v2 =	vld [tilespmem:$0x1E10]  }
0x8b: {  	[tilespmem:$0x3E00] =	vst v1;
	v1 =	vld [tilespmem:$0x1F10]  }
0x8c: {  	v62 =	vld [tilespmem:$0x1E90];
	[tilespmem:$0x3D80] =	vst v60  }
0x8d: {  	v63 =	vld [tilespmem:$0x1F00];
	[tilespmem:$0x3D90] =	vst v61  }
0x8e: {  	[tilespmem:$0x3D10] =	vst v3;
	v3 =	vld [tilespmem:$0x1E80]  }
0x8f: {  	[tilespmem:$0x3E10] =	vst v2;
	v2 =	vld [tilespmem:$0x1F80]  }
0x90: {  	[tilespmem:$0x3F10] =	vst v1;
	v1 =	vld [tilespmem:$0x1F90]  }
0x91: {  	[tilespmem:$0x3E90] =	vst v62  }
0x92: {  	[tilespmem:$0x3F00] =	vst v63  }
0x93: {  	[tilespmem:$0x3E80] =	vst v3  }
0x94: {  	[tilespmem:$0x3F80] =	vst v2  }
0x95: {  	[tilespmem:$0x3F90] =	vst v1  }
0x96: {  	[hbm4b:s3+s6] =	stream.linear.scatter [tilespmem:s8], [sflag:$0x1], $0x80, $0x38;
	[tilespmem:$0x4080] =	vst v63  }
0x97: {  	_ =	swait.ge [sflag:s7], $0x80  }
0x98: {  	p0 =	sne.s32 s5, $0x1;
	[sflag:s7] =	ssyncset.done $0x0  }
.Ltmp1:
0x99: {  	[sflag:s7] =	ssyncadd.s32 $0xFFFFFF80;
	(pc) =	sbr.rel @p0 .LBB2_2-.Ltmp1, $4  }
0x9a: {  	[hbm4b:s4+s6] =	stream.linear.scatter [tilespmem:s9], [sflag:$0x1], $0x2000, $0x38;
	[tilespmem:$0x4080] =	vst v63  }
0x9b: {  	_ =	swait.ge [sflag:s7], $0x2000  }
0x9c: {  	[sflag:s7] =	ssyncset.done $0x0  }
0x9d: {  	s5 =	sadd.s32 $0xFFFFFFFF, s5;
	[sflag:s7] =	ssyncadd.s32 $0xFFFFE000  }
.LBB2_3:
0x9e: {  	_ =	sfence.sel $0x180000  }
0x9f: {  	[bflag:$0x0] =	sbarrier.arrive $0xFFFF  }
0xa0: {  	p0 =	sne.s32 s0, $0x0;
	_ =	strace $0x90000047  }
0xa1: {  	s0 =	sadd.s32 @!p0 $0x100000, s1;
	[bflag:$0x2] =	sbarrier.arrive $0xFFFF  }
0xa2: {  	[sflag:s0] =	ssyncadd.tile.s32 @!p0 $0x1;
	_ =	shalt  }
.Lfunc_end2:
_tile_overlayer_lowered:
.L_overlay_start_2:
0xa3: {  	(tag) =	ssettag $0x2  }
0xa4: {  	s0 =	rddreg [dreg:$0x0];
	s2 =	stileid.u32  }
0xa5: {  	s1 =	rddreg [dreg:$0x1];
	p0 =	sne.s32 s2, $0x0  }
0xa6: {  	s3 =	rddreg [dreg:$0x2];
	[bflag:$0x3] =	sbarrier.arrive $0xFFFF;
	s2 =	simm.s32 @!p0 $0x1C01  }
0xa7: {  	[timem:s3], [sflag:s2] =	dma.local @!p0 [hbm:s0], s1  }
0xa8: {  	s0 =	simm.s32 @!p0 $0x1  }
0xa9: {  	_ =	swait.ge @!p0 [sflag:s0], s1  }
0xaa: {  	s1 =	ssub.s32 @!p0 $0x0, s1;
	[sflag:s0] =	ssyncset.done @!p0 $0x0  }
0xab: {  	[sflag:s0] =	ssyncadd.s32 @!p0 s1  }
0xac: {  	[bflag:$0x3] =	sbarrier.arrive $0xFFFF  }
0xad: {  	_ =	shalt  }

</sc_bundles>
